<compile_context>
chip_gen: v7x
topology: tpu7x:2x2x1
jax: 0.10.2.dev20260603
libtpu: 0.0.44.dev20260713+nightly
codegen_flags: <defaults>
</compile_context>

<pallas_src>
import functools

import jax
import jax.numpy as jnp
from jax import lax
from jax.experimental import pallas as pl
from jax.experimental.pallas import tpu as pltpu
from jax.experimental.pallas import tpu_sc as plsc

NS = 16
L = 16


@functools.lru_cache(maxsize=None)
def _build_hist(n_idx):
    ic = n_idx // NS
    mesh = plsc.VectorSubcoreMesh(
        core_axis_name="c", subcore_axis_name="s", num_cores=1, num_subcores=NS
    )

    @functools.partial(
        pl.kernel,
        out_type=jax.ShapeDtypeStruct((NS, 64), jnp.float32),
        mesh=mesh,
        scratch_types=[
            pltpu.VMEM((ic,), jnp.int32),
            pltpu.VMEM((128,), jnp.float32),
            pltpu.VMEM((64,), jnp.float32),
        ],
        compiler_params=pltpu.CompilerParams(needs_layout_passes=False),
    )
    def hist(idx_hbm, out_hbm, idx_v, part_v, cnt_v):
        sid = lax.axis_index("s")
        pltpu.sync_copy(idx_hbm.at[pl.ds(sid * ic, ic)], idx_v)

        zeros = jnp.zeros((L,), jnp.float32)
        ones = jnp.ones((L,), jnp.float32)
        for j in range(8):
            part_v[pl.ds(j * L, L)] = zeros

        off = (lax.iota(jnp.int32, 16) & 1) * 64
        for k in range(ic // L):
            idx = idx_v[pl.ds(k * L, L)]
            plsc.addupdate_scatter(part_v, [idx + off], ones)

        for j in range(4):
            cnt_v[pl.ds(j * L, L)] = (
                part_v[pl.ds(j * L, L)] + part_v[pl.ds(64 + j * L, L)]
            )
        pltpu.sync_copy(cnt_v, out_hbm.at[sid])

    return hist


@functools.lru_cache(maxsize=None)
def _build_colsum_dot(rows, cols, scale, tiles=2):
    tile = rows // tiles

    def body(parts_ref, x_ref, o_ref, acc_ref):
        i = pl.program_id(0)

        @pl.when(i == 0)
        def _():
            acc_ref[...] = jnp.zeros_like(acc_ref)

        acc_ref[...] += x_ref[...]

        @pl.when(i == tiles - 1)
        def _():
            cnt = jnp.transpose(jnp.sum(parts_ref[...], axis=0, keepdims=True))
            o_ref[0] = jnp.sum(acc_ref[...] * cnt) * scale

    return pl.pallas_call(
        body,
        grid=(tiles,),
        in_specs=[
            pl.BlockSpec((NS, cols), lambda i: (0, 0)),
            pl.BlockSpec((cols, tile), lambda i: (0, i)),
        ],
        out_specs=pl.BlockSpec(memory_space=pltpu.SMEM),
        out_shape=jax.ShapeDtypeStruct((1,), jnp.float32),
        scratch_shapes=[pltpu.VMEM((cols, tile), jnp.float32)],
    )


def kernel(router_probs, expert_indices, num_experts):
    B, M = router_probs.shape
    K = expert_indices.shape[1]
    assert M == 64, "kernel specialized for 64 experts"
    del num_experts
    idx_flat = expert_indices.T.reshape(-1).astype(jnp.int32)
    parts = _build_hist(B * K)(idx_flat)
    scale = float(M) / (float(B) * K * B)
    out = _build_colsum_dot(B, M, scale)(parts, router_probs.T)
    return out[0]

# --- scband reference (transcript-rebuilt; emitter-appended) ---
"""Pipeline reference for scband-load-balance-loss-18081812316843 (READ-ONLY COPY).

The authoritative reference and input builder live on the scoring server;
editing this copy changes nothing except your own understanding.
"""

import jax, jax.numpy as jnp
import numpy as np

B = 16384
M = 64
TOP_K = 2

def setup_inputs(seed: int = 0) -> dict:
    key = jax.random.key(seed)
    k1, k2 = jax.random.split(key)
    logits = jax.random.normal(k1, (B, M), dtype=jnp.float32)
    # router_probs are softmax outputs in the real pipeline
    router_probs = jax.nn.softmax(logits, axis=-1)
    expert_indices = jax.random.randint(k2, (B, TOP_K), 0, M, dtype=jnp.int64)
    return {"router_probs": router_probs, "expert_indices": expert_indices, "num_experts": M}

def reference(router_probs, expert_indices, num_experts):
    b = router_probs.shape[0]
    top_k = expert_indices.shape[1]
    # counts[m] = number of (token, slot) assignments to expert m (scatter-add / bincount)
    counts = jnp.bincount(expert_indices.reshape(-1), length=router_probs.shape[1]).astype(router_probs.dtype)
    f_m = counts / (b * top_k)
    P_m = jnp.mean(router_probs, axis=0)
    loss = num_experts * jnp.sum(f_m * P_m)
    return loss

if __name__ == "__main__":
    import jax
    _d = setup_inputs()
    print(jax.jit(kernel)(*tuple(_d.values())))

</pallas_src>

<mosaic_0001>
#map = affine_map<(d0, d1) -> (0)>
#map1 = affine_map<(d0, d1) -> (0, 0)>
module attributes {stable_mosaic.version = 14 : i64} {
  func.func @hist(%arg0: i32, %arg1: i32, %arg2: memref<32768xi32, #tpu.memory_space<hbm>>, %arg3: memref<16x64xf32, #tpu.memory_space<hbm>>, %arg4: memref<2048xi32, #tpu.memory_space<vmem>>, %arg5: memref<128xf32, #tpu.memory_space<vmem>>, %arg6: memref<64xf32, #tpu.memory_space<vmem>>) attributes {dimension_semantics = [#tpu.dimension_semantics<core_parallel>, #tpu.dimension_semantics<subcore_parallel>], iteration_bounds = array<i64: 1, 16>, scalar_prefetch = 0 : i64, scratch_operands = 3 : i64, tpu.core_type = #tpu.core_type<sc_vector_subcore>, window_params = [{transform_indices = #map}, {transform_indices = #map1}]} {
    %mul3A = arith.constant 2048 : i32
    %mul3A_0 = arith.muli %arg1, %mul3A : i32
    "tpu.region"() ({
      %run_scoped3A = tpu.sem_alloc : memref<!tpu.dma_semaphore, #tpu.memory_space<semaphore_mem>>
      %dma_start3A = tpu.memref_slice %arg2[%mul3A_0] : memref<32768xi32, #tpu.memory_space<hbm>> -> memref<2048xi32, #tpu.memory_space<hbm>>
      %dma_start3A_434 = tpu.memref_slice %arg2[%mul3A_0] : memref<32768xi32, #tpu.memory_space<hbm>> -> memref<2048xi32, #tpu.memory_space<hbm>>
      tpu.enqueue_dma source(%dma_start3A_434 : memref<2048xi32, #tpu.memory_space<hbm>>) target(%arg4 : memref<2048xi32, #tpu.memory_space<vmem>>) target_semaphore(%run_scoped3A : memref<!tpu.dma_semaphore, #tpu.memory_space<semaphore_mem>>)
      %dma_wait3A = tpu.memref_slice %arg2[%mul3A_0] : memref<32768xi32, #tpu.memory_space<hbm>> -> memref<2048xi32, #tpu.memory_space<hbm>>
      %dma_wait3A_435 = tpu.memref_slice %arg2[%mul3A_0] : memref<32768xi32, #tpu.memory_space<hbm>> -> memref<2048xi32, #tpu.memory_space<hbm>>
      tpu.wait_dma2 semaphore(%run_scoped3A : memref<!tpu.dma_semaphore, #tpu.memory_space<semaphore_mem>>) src(%dma_wait3A_435 : memref<2048xi32, #tpu.memory_space<hbm>>) dst(%arg4 : memref<2048xi32, #tpu.memory_space<vmem>>)
      tpu.yield
    }) : () -> ()
    %broadcast_in_dim3A = arith.constant 0.000000e+00 : f32
    %broadcast_in_dim3A_1 = vector.broadcast %broadcast_in_dim3A : f32 to vector<16xf32>
    %broadcast_in_dim3A_2 = arith.constant 1.000000e+00 : f32
    %broadcast_in_dim3A_3 = vector.broadcast %broadcast_in_dim3A_2 : f32 to vector<16xf32>
    %swap3A = arith.constant 0 : index
    %swap3A_4 = tpu.vector_load %arg5[%swap3A] {strides = array<i32>} : memref<128xf32, #tpu.memory_space<vmem>>, vector<16xf32>,
    tpu.vector_store %arg5[%swap3A], %broadcast_in_dim3A_1 {strides = array<i32>} : memref<128xf32, #tpu.memory_space<vmem>>, vector<16xf32>,
    %swap3A_5 = arith.constant 16 : index
    %swap3A_6 = tpu.vector_load %arg5[%swap3A_5] {strides = array<i32>} : memref<128xf32, #tpu.memory_space<vmem>>, vector<16xf32>,
    tpu.vector_store %arg5[%swap3A_5], %broadcast_in_dim3A_1 {strides = array<i32>} : memref<128xf32, #tpu.memory_space<vmem>>, vector<16xf32>,
    %swap3A_7 = arith.constant 32 : index
    %swap3A_8 = tpu.vector_load %arg5[%swap3A_7] {strides = array<i32>} : memref<128xf32, #tpu.memory_space<vmem>>, vector<16xf32>,
    tpu.vector_store %arg5[%swap3A_7], %broadcast_in_dim3A_1 {strides = array<i32>} : memref<128xf32, #tpu.memory_space<vmem>>, vector<16xf32>,
    %swap3A_9 = arith.constant 48 : index
    %swap3A_10 = tpu.vector_load %arg5[%swap3A_9] {strides = array<i32>} : memref<128xf32, #tpu.memory_space<vmem>>, vector<16xf32>,
    tpu.vector_store %arg5[%swap3A_9], %broadcast_in_dim3A_1 {strides = array<i32>} : memref<128xf32, #tpu.memory_space<vmem>>, vector<16xf32>,
    %swap3A_11 = arith.constant 64 : index
    %swap3A_12 = tpu.vector_load %arg5[%swap3A_11] {strides = array<i32>} : memref<128xf32, #tpu.memory_space<vmem>>, vector<16xf32>,
    tpu.vector_store %arg5[%swap3A_11], %broadcast_in_dim3A_1 {strides = array<i32>} : memref<128xf32, #tpu.memory_space<vmem>>, vector<16xf32>,
    %swap3A_13 = arith.constant 80 : index
    %swap3A_14 = tpu.vector_load %arg5[%swap3A_13] {strides = array<i32>} : memref<128xf32, #tpu.memory_space<vmem>>, vector<16xf32>,
    tpu.vector_store %arg5[%swap3A_13], %broadcast_in_dim3A_1 {strides = array<i32>} : memref<128xf32, #tpu.memory_space<vmem>>, vector<16xf32>,
    %swap3A_15 = arith.constant 96 : index
    %swap3A_16 = tpu.vector_load %arg5[%swap3A_15] {strides = array<i32>} : memref<128xf32, #tpu.memory_space<vmem>>, vector<16xf32>,
    tpu.vector_store %arg5[%swap3A_15], %broadcast_in_dim3A_1 {strides = array<i32>} : memref<128xf32, #tpu.memory_space<vmem>>, vector<16xf32>,
    %swap3A_17 = arith.constant 112 : index
    %swap3A_18 = tpu.vector_load %arg5[%swap3A_17] {strides = array<i32>} : memref<128xf32, #tpu.memory_space<vmem>>, vector<16xf32>,
    tpu.vector_store %arg5[%swap3A_17], %broadcast_in_dim3A_1 {strides = array<i32>} : memref<128xf32, #tpu.memory_space<vmem>>, vector<16xf32>,
    %iota3A = tpu.iota {dimensions = array<i32: 0>} : vector<16xi32>
    %and3A = arith.constant 1 : i32
    %and3A_19 = vector.broadcast %and3A : i32 to vector<16xi32>
    %and3A_20 = arith.andi %iota3A, %and3A_19 : vector<16xi32>
    %mul3A_21 = arith.constant 64 : i32
    %mul3A_22 = vector.broadcast %mul3A_21 : i32 to vector<16xi32>
    %mul3A_23 = arith.muli %and3A_20, %mul3A_22 : vector<16xi32>
    %get3A = arith.constant 0 : index
    %get3A_24 = tpu.vector_load %arg4[%get3A] {strides = array<i32>} : memref<2048xi32, #tpu.memory_space<vmem>>, vector<16xi32>,
    %add3A = arith.addi %get3A_24, %mul3A_23 : vector<16xi32>
    tpu.vector_store_idx %arg5[%add3A], %broadcast_in_dim3A_3 {add = true} : memref<128xf32, #tpu.memory_space<vmem>>[vector<16xi32>], vector<16xf32>,
    %get3A_25 = arith.constant 16 : index
    %get3A_26 = tpu.vector_load %arg4[%get3A_25] {strides = array<i32>} : memref<2048xi32, #tpu.memory_space<vmem>>, vector<16xi32>,
    %add3A_27 = arith.addi %get3A_26, %mul3A_23 : vector<16xi32>
    tpu.vector_store_idx %arg5[%add3A_27], %broadcast_in_dim3A_3 {add = true} : memref<128xf32, #tpu.memory_space<vmem>>[vector<16xi32>], vector<16xf32>,
    %get3A_28 = arith.constant 32 : index
    %get3A_29 = tpu.vector_load %arg4[%get3A_28] {strides = array<i32>} : memref<2048xi32, #tpu.memory_space<vmem>>, vector<16xi32>,
    %add3A_30 = arith.addi %get3A_29, %mul3A_23 : vector<16xi32>
    tpu.vector_store_idx %arg5[%add3A_30], %broadcast_in_dim3A_3 {add = true} : memref<128xf32, #tpu.memory_space<vmem>>[vector<16xi32>], vector<16xf32>,
    %get3A_31 = arith.constant 48 : index
    %get3A_32 = tpu.vector_load %arg4[%get3A_31] {strides = array<i32>} : memref<2048xi32, #tpu.memory_space<vmem>>, vector<16xi32>,
    %add3A_33 = arith.addi %get3A_32, %mul3A_23 : vector<16xi32>
    tpu.vector_store_idx %arg5[%add3A_33], %broadcast_in_dim3A_3 {add = true} : memref<128xf32, #tpu.memory_space<vmem>>[vector<16xi32>], vector<16xf32>,
    %get3A_34 = arith.constant 64 : index
    %get3A_35 = tpu.vector_load %arg4[%get3A_34] {strides = array<i32>} : memref<2048xi32, #tpu.memory_space<vmem>>, vector<16xi32>,
    %add3A_36 = arith.addi %get3A_35, %mul3A_23 : vector<16xi32>
    tpu.vector_store_idx %arg5[%add3A_36], %broadcast_in_dim3A_3 {add = true} : memref<128xf32, #tpu.memory_space<vmem>>[vector<16xi32>], vector<16xf32>,
    %get3A_37 = arith.constant 80 : index
    %get3A_38 = tpu.vector_load %arg4[%get3A_37] {strides = array<i32>} : memref<2048xi32, #tpu.memory_space<vmem>>, vector<16xi32>,
    %add3A_39 = arith.addi %get3A_38, %mul3A_23 : vector<16xi32>
    tpu.vector_store_idx %arg5[%add3A_39], %broadcast_in_dim3A_3 {add = true} : memref<128xf32, #tpu.memory_space<vmem>>[vector<16xi32>], vector<16xf32>,
    %get3A_40 = arith.constant 96 : index
    %get3A_41 = tpu.vector_load %arg4[%get3A_40] {strides = array<i32>} : memref<2048xi32, #tpu.memory_space<vmem>>, vector<16xi32>,
    %add3A_42 = arith.addi %get3A_41, %mul3A_23 : vector<16xi32>
    tpu.vector_store_idx %arg5[%add3A_42], %broadcast_in_dim3A_3 {add = true} : memref<128xf32, #tpu.memory_space<vmem>>[vector<16xi32>], vector<16xf32>,
    %get3A_43 = arith.constant 112 : index
    %get3A_44 = tpu.vector_load %arg4[%get3A_43] {strides = array<i32>} : memref<2048xi32, #tpu.memory_space<vmem>>, vector<16xi32>,
    %add3A_45 = arith.addi %get3A_44, %mul3A_23 : vector<16xi32>
    tpu.vector_store_idx %arg5[%add3A_45], %broadcast_in_dim3A_3 {add = true} : memref<128xf32, #tpu.memory_space<vmem>>[vector<16xi32>], vector<16xf32>,
    %get3A_46 = arith.constant 128 : index
    %get3A_47 = tpu.vector_load %arg4[%get3A_46] {strides = array<i32>} : memref<2048xi32, #tpu.memory_space<vmem>>, vector<16xi32>,
    %add3A_48 = arith.addi %get3A_47, %mul3A_23 : vector<16xi32>
    tpu.vector_store_idx %arg5[%add3A_48], %broadcast_in_dim3A_3 {add = true} : memref<128xf32, #tpu.memory_space<vmem>>[vector<16xi32>], vector<16xf32>,
    %get3A_49 = arith.constant 144 : index
    %get3A_50 = tpu.vector_load %arg4[%get3A_49] {strides = array<i32>} : memref<2048xi32, #tpu.memory_space<vmem>>, vector<16xi32>,
    %add3A_51 = arith.addi %get3A_50, %mul3A_23 : vector<16xi32>
    tpu.vector_store_idx %arg5[%add3A_51], %broadcast_in_dim3A_3 {add = true} : memref<128xf32, #tpu.memory_space<vmem>>[vector<16xi32>], vector<16xf32>,
    %get3A_52 = arith.constant 160 : index
    %get3A_53 = tpu.vector_load %arg4[%get3A_52] {strides = array<i32>} : memref<2048xi32, #tpu.memory_space<vmem>>, vector<16xi32>,
    %add3A_54 = arith.addi %get3A_53, %mul3A_23 : vector<16xi32>
    tpu.vector_store_idx %arg5[%add3A_54], %broadcast_in_dim3A_3 {add = true} : memref<128xf32, #tpu.memory_space<vmem>>[vector<16xi32>], vector<16xf32>,
    %get3A_55 = arith.constant 176 : index
    %get3A_56 = tpu.vector_load %arg4[%get3A_55] {strides = array<i32>} : memref<2048xi32, #tpu.memory_space<vmem>>, vector<16xi32>,
    %add3A_57 = arith.addi %get3A_56, %mul3A_23 : vector<16xi32>
    tpu.vector_store_idx %arg5[%add3A_57], %broadcast_in_dim3A_3 {add = true} : memref<128xf32, #tpu.memory_space<vmem>>[vector<16xi32>], vector<16xf32>,
    %get3A_58 = arith.constant 192 : index
    %get3A_59 = tpu.vector_load %arg4[%get3A_58] {strides = array<i32>} : memref<2048xi32, #tpu.memory_space<vmem>>, vector<16xi32>,
    %add3A_60 = arith.addi %get3A_59, %mul3A_23 : vector<16xi32>
    tpu.vector_store_idx %arg5[%add3A_60], %broadcast_in_dim3A_3 {add = true} : memref<128xf32, #tpu.memory_space<vmem>>[vector<16xi32>], vector<16xf32>,
    %get3A_61 = arith.constant 208 : index
    %get3A_62 = tpu.vector_load %arg4[%get3A_61] {strides = array<i32>} : memref<2048xi32, #tpu.memory_space<vmem>>, vector<16xi32>,
    %add3A_63 = arith.addi %get3A_62, %mul3A_23 : vector<16xi32>
    tpu.vector_store_idx %arg5[%add3A_63], %broadcast_in_dim3A_3 {add = true} : memref<128xf32, #tpu.memory_space<vmem>>[vector<16xi32>], vector<16xf32>,
    %get3A_64 = arith.constant 224 : index
    %get3A_65 = tpu.vector_load %arg4[%get3A_64] {strides = array<i32>} : memref<2048xi32, #tpu.memory_space<vmem>>, vector<16xi32>,
    %add3A_66 = arith.addi %get3A_65, %mul3A_23 : vector<16xi32>
    tpu.vector_store_idx %arg5[%add3A_66], %broadcast_in_dim3A_3 {add = true} : memref<128xf32, #tpu.memory_space<vmem>>[vector<16xi32>], vector<16xf32>,
    %get3A_67 = arith.constant 240 : index
    %get3A_68 = tpu.vector_load %arg4[%get3A_67] {strides = array<i32>} : memref<2048xi32, #tpu.memory_space<vmem>>, vector<16xi32>,
    %add3A_69 = arith.addi %get3A_68, %mul3A_23 : vector<16xi32>
    tpu.vector_store_idx %arg5[%add3A_69], %broadcast_in_dim3A_3 {add = true} : memref<128xf32, #tpu.memory_space<vmem>>[vector<16xi32>], vector<16xf32>,
    %get3A_70 = arith.constant 256 : index
    %get3A_71 = tpu.vector_load %arg4[%get3A_70] {strides = array<i32>} : memref<2048xi32, #tpu.memory_space<vmem>>, vector<16xi32>,
    %add3A_72 = arith.addi %get3A_71, %mul3A_23 : vector<16xi32>
    tpu.vector_store_idx %arg5[%add3A_72], %broadcast_in_dim3A_3 {add = true} : memref<128xf32, #tpu.memory_space<vmem>>[vector<16xi32>], vector<16xf32>,
    %get3A_73 = arith.constant 272 : index
    %get3A_74 = tpu.vector_load %arg4[%get3A_73] {strides = array<i32>} : memref<2048xi32, #tpu.memory_space<vmem>>, vector<16xi32>,
    %add3A_75 = arith.addi %get3A_74, %mul3A_23 : vector<16xi32>
    tpu.vector_store_idx %arg5[%add3A_75], %broadcast_in_dim3A_3 {add = true} : memref<128xf32, #tpu.memory_space<vmem>>[vector<16xi32>], vector<16xf32>,
    %get3A_76 = arith.constant 288 : index
    %get3A_77 = tpu.vector_load %arg4[%get3A_76] {strides = array<i32>} : memref<2048xi32, #tpu.memory_space<vmem>>, vector<16xi32>,
    %add3A_78 = arith.addi %get3A_77, %mul3A_23 : vector<16xi32>
    tpu.vector_store_idx %arg5[%add3A_78], %broadcast_in_dim3A_3 {add = true} : memref<128xf32, #tpu.memory_space<vmem>>[vector<16xi32>], vector<16xf32>,
    %get3A_79 = arith.constant 304 : index
    %get3A_80 = tpu.vector_load %arg4[%get3A_79] {strides = array<i32>} : memref<2048xi32, #tpu.memory_space<vmem>>, vector<16xi32>,
    %add3A_81 = arith.addi %get3A_80, %mul3A_23 : vector<16xi32>
    tpu.vector_store_idx %arg5[%add3A_81], %broadcast_in_dim3A_3 {add = true} : memref<128xf32, #tpu.memory_space<vmem>>[vector<16xi32>], vector<16xf32>,
    %get3A_82 = arith.constant 320 : index
    %get3A_83 = tpu.vector_load %arg4[%get3A_82] {strides = array<i32>} : memref<2048xi32, #tpu.memory_space<vmem>>, vector<16xi32>,
    %add3A_84 = arith.addi %get3A_83, %mul3A_23 : vector<16xi32>
    tpu.vector_store_idx %arg5[%add3A_84], %broadcast_in_dim3A_3 {add = true} : memref<128xf32, #tpu.memory_space<vmem>>[vector<16xi32>], vector<16xf32>,
    %get3A_85 = arith.constant 336 : index
    %get3A_86 = tpu.vector_load %arg4[%get3A_85] {strides = array<i32>} : memref<2048xi32, #tpu.memory_space<vmem>>, vector<16xi32>,
    %add3A_87 = arith.addi %get3A_86, %mul3A_23 : vector<16xi32>
    tpu.vector_store_idx %arg5[%add3A_87], %broadcast_in_dim3A_3 {add = true} : memref<128xf32, #tpu.memory_space<vmem>>[vector<16xi32>], vector<16xf32>,
    %get3A_88 = arith.constant 352 : index
    %get3A_89 = tpu.vector_load %arg4[%get3A_88] {strides = array<i32>} : memref<2048xi32, #tpu.memory_space<vmem>>, vector<16xi32>,
    %add3A_90 = arith.addi %get3A_89, %mul3A_23 : vector<16xi32>
    tpu.vector_store_idx %arg5[%add3A_90], %broadcast_in_dim3A_3 {add = true} : memref<128xf32, #tpu.memory_space<vmem>>[vector<16xi32>], vector<16xf32>,
    %get3A_91 = arith.constant 368 : index
    %get3A_92 = tpu.vector_load %arg4[%get3A_91] {strides = array<i32>} : memref<2048xi32, #tpu.memory_space<vmem>>, vector<16xi32>,
    %add3A_93 = arith.addi %get3A_92, %mul3A_23 : vector<16xi32>
    tpu.vector_store_idx %arg5[%add3A_93], %broadcast_in_dim3A_3 {add = true} : memref<128xf32, #tpu.memory_space<vmem>>[vector<16xi32>], vector<16xf32>,
    %get3A_94 = arith.constant 384 : index
    %get3A_95 = tpu.vector_load %arg4[%get3A_94] {strides = array<i32>} : memref<2048xi32, #tpu.memory_space<vmem>>, vector<16xi32>,
    %add3A_96 = arith.addi %get3A_95, %mul3A_23 : vector<16xi32>
    tpu.vector_store_idx %arg5[%add3A_96], %broadcast_in_dim3A_3 {add = true} : memref<128xf32, #tpu.memory_space<vmem>>[vector<16xi32>], vector<16xf32>,
    %get3A_97 = arith.constant 400 : index
    %get3A_98 = tpu.vector_load %arg4[%get3A_97] {strides = array<i32>} : memref<2048xi32, #tpu.memory_space<vmem>>, vector<16xi32>,
    %add3A_99 = arith.addi %get3A_98, %mul3A_23 : vector<16xi32>
    tpu.vector_store_idx %arg5[%add3A_99], %broadcast_in_dim3A_3 {add = true} : memref<128xf32, #tpu.memory_space<vmem>>[vector<16xi32>], vector<16xf32>,
    %get3A_100 = arith.constant 416 : index
    %get3A_101 = tpu.vector_load %arg4[%get3A_100] {strides = array<i32>} : memref<2048xi32, #tpu.memory_space<vmem>>, vector<16xi32>,
    %add3A_102 = arith.addi %get3A_101, %mul3A_23 : vector<16xi32>
    tpu.vector_store_idx %arg5[%add3A_102], %broadcast_in_dim3A_3 {add = true} : memref<128xf32, #tpu.memory_space<vmem>>[vector<16xi32>], vector<16xf32>,
    %get3A_103 = arith.constant 432 : index
    %get3A_104 = tpu.vector_load %arg4[%get3A_103] {strides = array<i32>} : memref<2048xi32, #tpu.memory_space<vmem>>, vector<16xi32>,
    %add3A_105 = arith.addi %get3A_104, %mul3A_23 : vector<16xi32>
    tpu.vector_store_idx %arg5[%add3A_105], %broadcast_in_dim3A_3 {add = true} : memref<128xf32, #tpu.memory_space<vmem>>[vector<16xi32>], vector<16xf32>,
    %get3A_106 = arith.constant 448 : index
    %get3A_107 = tpu.vector_load %arg4[%get3A_106] {strides = array<i32>} : memref<2048xi32, #tpu.memory_space<vmem>>, vector<16xi32>,
    %add3A_108 = arith.addi %get3A_107, %mul3A_23 : vector<16xi32>
    tpu.vector_store_idx %arg5[%add3A_108], %broadcast_in_dim3A_3 {add = true} : memref<128xf32, #tpu.memory_space<vmem>>[vector<16xi32>], vector<16xf32>,
    %get3A_109 = arith.constant 464 : index
    %get3A_110 = tpu.vector_load %arg4[%get3A_109] {strides = array<i32>} : memref<2048xi32, #tpu.memory_space<vmem>>, vector<16xi32>,
    %add3A_111 = arith.addi %get3A_110, %mul3A_23 : vector<16xi32>
    tpu.vector_store_idx %arg5[%add3A_111], %broadcast_in_dim3A_3 {add = true} : memref<128xf32, #tpu.memory_space<vmem>>[vector<16xi32>], vector<16xf32>,
    %get3A_112 = arith.constant 480 : index
    %get3A_113 = tpu.vector_load %arg4[%get3A_112] {strides = array<i32>} : memref<2048xi32, #tpu.memory_space<vmem>>, vector<16xi32>,
    %add3A_114 = arith.addi %get3A_113, %mul3A_23 : vector<16xi32>
    tpu.vector_store_idx %arg5[%add3A_114], %broadcast_in_dim3A_3 {add = true} : memref<128xf32, #tpu.memory_space<vmem>>[vector<16xi32>], vector<16xf32>,
    %get3A_115 = arith.constant 496 : index
    %get3A_116 = tpu.vector_load %arg4[%get3A_115] {strides = array<i32>} : memref<2048xi32, #tpu.memory_space<vmem>>, vector<16xi32>,
    %add3A_117 = arith.addi %get3A_116, %mul3A_23 : vector<16xi32>
    tpu.vector_store_idx %arg5[%add3A_117], %broadcast_in_dim3A_3 {add = true} : memref<128xf32, #tpu.memory_space<vmem>>[vector<16xi32>], vector<16xf32>,
    %get3A_118 = arith.constant 512 : index
    %get3A_119 = tpu.vector_load %arg4[%get3A_118] {strides = array<i32>} : memref<2048xi32, #tpu.memory_space<vmem>>, vector<16xi32>,
    %add3A_120 = arith.addi %get3A_119, %mul3A_23 : vector<16xi32>
    tpu.vector_store_idx %arg5[%add3A_120], %broadcast_in_dim3A_3 {add = true} : memref<128xf32, #tpu.memory_space<vmem>>[vector<16xi32>], vector<16xf32>,
    %get3A_121 = arith.constant 528 : index
    %get3A_122 = tpu.vector_load %arg4[%get3A_121] {strides = array<i32>} : memref<2048xi32, #tpu.memory_space<vmem>>, vector<16xi32>,
    %add3A_123 = arith.addi %get3A_122, %mul3A_23 : vector<16xi32>
    tpu.vector_store_idx %arg5[%add3A_123], %broadcast_in_dim3A_3 {add = true} : memref<128xf32, #tpu.memory_space<vmem>>[vector<16xi32>], vector<16xf32>,
    %get3A_124 = arith.constant 544 : index
    %get3A_125 = tpu.vector_load %arg4[%get3A_124] {strides = array<i32>} : memref<2048xi32, #tpu.memory_space<vmem>>, vector<16xi32>,
    %add3A_126 = arith.addi %get3A_125, %mul3A_23 : vector<16xi32>
    tpu.vector_store_idx %arg5[%add3A_126], %broadcast_in_dim3A_3 {add = true} : memref<128xf32, #tpu.memory_space<vmem>>[vector<16xi32>], vector<16xf32>,
    %get3A_127 = arith.constant 560 : index
    %get3A_128 = tpu.vector_load %arg4[%get3A_127] {strides = array<i32>} : memref<2048xi32, #tpu.memory_space<vmem>>, vector<16xi32>,
    %add3A_129 = arith.addi %get3A_128, %mul3A_23 : vector<16xi32>
    tpu.vector_store_idx %arg5[%add3A_129], %broadcast_in_dim3A_3 {add = true} : memref<128xf32, #tpu.memory_space<vmem>>[vector<16xi32>], vector<16xf32>,
    %get3A_130 = arith.constant 576 : index
    %get3A_131 = tpu.vector_load %arg4[%get3A_130] {strides = array<i32>} : memref<2048xi32, #tpu.memory_space<vmem>>, vector<16xi32>,
    %add3A_132 = arith.addi %get3A_131, %mul3A_23 : vector<16xi32>
    tpu.vector_store_idx %arg5[%add3A_132], %broadcast_in_dim3A_3 {add = true} : memref<128xf32, #tpu.memory_space<vmem>>[vector<16xi32>], vector<16xf32>,
    %get3A_133 = arith.constant 592 : index
    %get3A_134 = tpu.vector_load %arg4[%get3A_133] {strides = array<i32>} : memref<2048xi32, #tpu.memory_space<vmem>>, vector<16xi32>,
    %add3A_135 = arith.addi %get3A_134, %mul3A_23 : vector<16xi32>
    tpu.vector_store_idx %arg5[%add3A_135], %broadcast_in_dim3A_3 {add = true} : memref<128xf32, #tpu.memory_space<vmem>>[vector<16xi32>], vector<16xf32>,
    %get3A_136 = arith.constant 608 : index
    %get3A_137 = tpu.vector_load %arg4[%get3A_136] {strides = array<i32>} : memref<2048xi32, #tpu.memory_space<vmem>>, vector<16xi32>,
    %add3A_138 = arith.addi %get3A_137, %mul3A_23 : vector<16xi32>
    tpu.vector_store_idx %arg5[%add3A_138], %broadcast_in_dim3A_3 {add = true} : memref<128xf32, #tpu.memory_space<vmem>>[vector<16xi32>], vector<16xf32>,
    %get3A_139 = arith.constant 624 : index
    %get3A_140 = tpu.vector_load %arg4[%get3A_139] {strides = array<i32>} : memref<2048xi32, #tpu.memory_space<vmem>>, vector<16xi32>,
    %add3A_141 = arith.addi %get3A_140, %mul3A_23 : vector<16xi32>
    tpu.vector_store_idx %arg5[%add3A_141], %broadcast_in_dim3A_3 {add = true} : memref<128xf32, #tpu.memory_space<vmem>>[vector<16xi32>], vector<16xf32>,
    %get3A_142 = arith.constant 640 : index
    %get3A_143 = tpu.vector_load %arg4[%get3A_142] {strides = array<i32>} : memref<2048xi32, #tpu.memory_space<vmem>>, vector<16xi32>,
    %add3A_144 = arith.addi %get3A_143, %mul3A_23 : vector<16xi32>
    tpu.vector_store_idx %arg5[%add3A_144], %broadcast_in_dim3A_3 {add = true} : memref<128xf32, #tpu.memory_space<vmem>>[vector<16xi32>], vector<16xf32>,
    %get3A_145 = arith.constant 656 : index
    %get3A_146 = tpu.vector_load %arg4[%get3A_145] {strides = array<i32>} : memref<2048xi32, #tpu.memory_space<vmem>>, vector<16xi32>,
    %add3A_147 = arith.addi %get3A_146, %mul3A_23 : vector<16xi32>
    tpu.vector_store_idx %arg5[%add3A_147], %broadcast_in_dim3A_3 {add = true} : memref<128xf32, #tpu.memory_space<vmem>>[vector<16xi32>], vector<16xf32>,
    %get3A_148 = arith.constant 672 : index
    %get3A_149 = tpu.vector_load %arg4[%get3A_148] {strides = array<i32>} : memref<2048xi32, #tpu.memory_space<vmem>>, vector<16xi32>,
    %add3A_150 = arith.addi %get3A_149, %mul3A_23 : vector<16xi32>
    tpu.vector_store_idx %arg5[%add3A_150], %broadcast_in_dim3A_3 {add = true} : memref<128xf32, #tpu.memory_space<vmem>>[vector<16xi32>], vector<16xf32>,
    %get3A_151 = arith.constant 688 : index
    %get3A_152 = tpu.vector_load %arg4[%get3A_151] {strides = array<i32>} : memref<2048xi32, #tpu.memory_space<vmem>>, vector<16xi32>,
    %add3A_153 = arith.addi %get3A_152, %mul3A_23 : vector<16xi32>
    tpu.vector_store_idx %arg5[%add3A_153], %broadcast_in_dim3A_3 {add = true} : memref<128xf32, #tpu.memory_space<vmem>>[vector<16xi32>], vector<16xf32>,
    %get3A_154 = arith.constant 704 : index
    %get3A_155 = tpu.vector_load %arg4[%get3A_154] {strides = array<i32>} : memref<2048xi32, #tpu.memory_space<vmem>>, vector<16xi32>,
    %add3A_156 = arith.addi %get3A_155, %mul3A_23 : vector<16xi32>
    tpu.vector_store_idx %arg5[%add3A_156], %broadcast_in_dim3A_3 {add = true} : memref<128xf32, #tpu.memory_space<vmem>>[vector<16xi32>], vector<16xf32>,
    %get3A_157 = arith.constant 720 : index
    %get3A_158 = tpu.vector_load %arg4[%get3A_157] {strides = array<i32>} : memref<2048xi32, #tpu.memory_space<vmem>>, vector<16xi32>,
    %add3A_159 = arith.addi %get3A_158, %mul3A_23 : vector<16xi32>
    tpu.vector_store_idx %arg5[%add3A_159], %broadcast_in_dim3A_3 {add = true} : memref<128xf32, #tpu.memory_space<vmem>>[vector<16xi32>], vector<16xf32>,
    %get3A_160 = arith.constant 736 : index
    %get3A_161 = tpu.vector_load %arg4[%get3A_160] {strides = array<i32>} : memref<2048xi32, #tpu.memory_space<vmem>>, vector<16xi32>,
    %add3A_162 = arith.addi %get3A_161, %mul3A_23 : vector<16xi32>
    tpu.vector_store_idx %arg5[%add3A_162], %broadcast_in_dim3A_3 {add = true} : memref<128xf32, #tpu.memory_space<vmem>>[vector<16xi32>], vector<16xf32>,
    %get3A_163 = arith.constant 752 : index
    %get3A_164 = tpu.vector_load %arg4[%get3A_163] {strides = array<i32>} : memref<2048xi32, #tpu.memory_space<vmem>>, vector<16xi32>,
    %add3A_165 = arith.addi %get3A_164, %mul3A_23 : vector<16xi32>
    tpu.vector_store_idx %arg5[%add3A_165], %broadcast_in_dim3A_3 {add = true} : memref<128xf32, #tpu.memory_space<vmem>>[vector<16xi32>], vector<16xf32>,
    %get3A_166 = arith.constant 768 : index
    %get3A_167 = tpu.vector_load %arg4[%get3A_166] {strides = array<i32>} : memref<2048xi32, #tpu.memory_space<vmem>>, vector<16xi32>,
    %add3A_168 = arith.addi %get3A_167, %mul3A_23 : vector<16xi32>
    tpu.vector_store_idx %arg5[%add3A_168], %broadcast_in_dim3A_3 {add = true} : memref<128xf32, #tpu.memory_space<vmem>>[vector<16xi32>], vector<16xf32>,
    %get3A_169 = arith.constant 784 : index
    %get3A_170 = tpu.vector_load %arg4[%get3A_169] {strides = array<i32>} : memref<2048xi32, #tpu.memory_space<vmem>>, vector<16xi32>,
    %add3A_171 = arith.addi %get3A_170, %mul3A_23 : vector<16xi32>
    tpu.vector_store_idx %arg5[%add3A_171], %broadcast_in_dim3A_3 {add = true} : memref<128xf32, #tpu.memory_space<vmem>>[vector<16xi32>], vector<16xf32>,
    %get3A_172 = arith.constant 800 : index
    %get3A_173 = tpu.vector_load %arg4[%get3A_172] {strides = array<i32>} : memref<2048xi32, #tpu.memory_space<vmem>>, vector<16xi32>,
    %add3A_174 = arith.addi %get3A_173, %mul3A_23 : vector<16xi32>
    tpu.vector_store_idx %arg5[%add3A_174], %broadcast_in_dim3A_3 {add = true} : memref<128xf32, #tpu.memory_space<vmem>>[vector<16xi32>], vector<16xf32>,
    %get3A_175 = arith.constant 816 : index
    %get3A_176 = tpu.vector_load %arg4[%get3A_175] {strides = array<i32>} : memref<2048xi32, #tpu.memory_space<vmem>>, vector<16xi32>,
    %add3A_177 = arith.addi %get3A_176, %mul3A_23 : vector<16xi32>
    tpu.vector_store_idx %arg5[%add3A_177], %broadcast_in_dim3A_3 {add = true} : memref<128xf32, #tpu.memory_space<vmem>>[vector<16xi32>], vector<16xf32>,
    %get3A_178 = arith.constant 832 : index
    %get3A_179 = tpu.vector_load %arg4[%get3A_178] {strides = array<i32>} : memref<2048xi32, #tpu.memory_space<vmem>>, vector<16xi32>,
    %add3A_180 = arith.addi %get3A_179, %mul3A_23 : vector<16xi32>
    tpu.vector_store_idx %arg5[%add3A_180], %broadcast_in_dim3A_3 {add = true} : memref<128xf32, #tpu.memory_space<vmem>>[vector<16xi32>], vector<16xf32>,
    %get3A_181 = arith.constant 848 : index
    %get3A_182 = tpu.vector_load %arg4[%get3A_181] {strides = array<i32>} : memref<2048xi32, #tpu.memory_space<vmem>>, vector<16xi32>,
    %add3A_183 = arith.addi %get3A_182, %mul3A_23 : vector<16xi32>
    tpu.vector_store_idx %arg5[%add3A_183], %broadcast_in_dim3A_3 {add = true} : memref<128xf32, #tpu.memory_space<vmem>>[vector<16xi32>], vector<16xf32>,
    %get3A_184 = arith.constant 864 : index
    %get3A_185 = tpu.vector_load %arg4[%get3A_184] {strides = array<i32>} : memref<2048xi32, #tpu.memory_space<vmem>>, vector<16xi32>,
    %add3A_186 = arith.addi %get3A_185, %mul3A_23 : vector<16xi32>
    tpu.vector_store_idx %arg5[%add3A_186], %broadcast_in_dim3A_3 {add = true} : memref<128xf32, #tpu.memory_space<vmem>>[vector<16xi32>], vector<16xf32>,
    %get3A_187 = arith.constant 880 : index
    %get3A_188 = tpu.vector_load %arg4[%get3A_187] {strides = array<i32>} : memref<2048xi32, #tpu.memory_space<vmem>>, vector<16xi32>,
    %add3A_189 = arith.addi %get3A_188, %mul3A_23 : vector<16xi32>
    tpu.vector_store_idx %arg5[%add3A_189], %broadcast_in_dim3A_3 {add = true} : memref<128xf32, #tpu.memory_space<vmem>>[vector<16xi32>], vector<16xf32>,
    %get3A_190 = arith.constant 896 : index
    %get3A_191 = tpu.vector_load %arg4[%get3A_190] {strides = array<i32>} : memref<2048xi32, #tpu.memory_space<vmem>>, vector<16xi32>,
    %add3A_192 = arith.addi %get3A_191, %mul3A_23 : vector<16xi32>
    tpu.vector_store_idx %arg5[%add3A_192], %broadcast_in_dim3A_3 {add = true} : memref<128xf32, #tpu.memory_space<vmem>>[vector<16xi32>], vector<16xf32>,
    %get3A_193 = arith.constant 912 : index
    %get3A_194 = tpu.vector_load %arg4[%get3A_193] {strides = array<i32>} : memref<2048xi32, #tpu.memory_space<vmem>>, vector<16xi32>,
    %add3A_195 = arith.addi %get3A_194, %mul3A_23 : vector<16xi32>
    tpu.vector_store_idx %arg5[%add3A_195], %broadcast_in_dim3A_3 {add = true} : memref<128xf32, #tpu.memory_space<vmem>>[vector<16xi32>], vector<16xf32>,
    %get3A_196 = arith.constant 928 : index
    %get3A_197 = tpu.vector_load %arg4[%get3A_196] {strides = array<i32>} : memref<2048xi32, #tpu.memory_space<vmem>>, vector<16xi32>,
    %add3A_198 = arith.addi %get3A_197, %mul3A_23 : vector<16xi32>
    tpu.vector_store_idx %arg5[%add3A_198], %broadcast_in_dim3A_3 {add = true} : memref<128xf32, #tpu.memory_space<vmem>>[vector<16xi32>], vector<16xf32>,
    %get3A_199 = arith.constant 944 : index
    %get3A_200 = tpu.vector_load %arg4[%get3A_199] {strides = array<i32>} : memref<2048xi32, #tpu.memory_space<vmem>>, vector<16xi32>,
    %add3A_201 = arith.addi %get3A_200, %mul3A_23 : vector<16xi32>
    tpu.vector_store_idx %arg5[%add3A_201], %broadcast_in_dim3A_3 {add = true} : memref<128xf32, #tpu.memory_space<vmem>>[vector<16xi32>], vector<16xf32>,
    %get3A_202 = arith.constant 960 : index
    %get3A_203 = tpu.vector_load %arg4[%get3A_202] {strides = array<i32>} : memref<2048xi32, #tpu.memory_space<vmem>>, vector<16xi32>,
    %add3A_204 = arith.addi %get3A_203, %mul3A_23 : vector<16xi32>
    tpu.vector_store_idx %arg5[%add3A_204], %broadcast_in_dim3A_3 {add = true} : memref<128xf32, #tpu.memory_space<vmem>>[vector<16xi32>], vector<16xf32>,
    %get3A_205 = arith.constant 976 : index
    %get3A_206 = tpu.vector_load %arg4[%get3A_205] {strides = array<i32>} : memref<2048xi32, #tpu.memory_space<vmem>>, vector<16xi32>,
    %add3A_207 = arith.addi %get3A_206, %mul3A_23 : vector<16xi32>
    tpu.vector_store_idx %arg5[%add3A_207], %broadcast_in_dim3A_3 {add = true} : memref<128xf32, #tpu.memory_space<vmem>>[vector<16xi32>], vector<16xf32>,
    %get3A_208 = arith.constant 992 : index
    %get3A_209 = tpu.vector_load %arg4[%get3A_208] {strides = array<i32>} : memref<2048xi32, #tpu.memory_space<vmem>>, vector<16xi32>,
    %add3A_210 = arith.addi %get3A_209, %mul3A_23 : vector<16xi32>
    tpu.vector_store_idx %arg5[%add3A_210], %broadcast_in_dim3A_3 {add = true} : memref<128xf32, #tpu.memory_space<vmem>>[vector<16xi32>], vector<16xf32>,
    %get3A_211 = arith.constant 1008 : index
    %get3A_212 = tpu.vector_load %arg4[%get3A_211] {strides = array<i32>} : memref<2048xi32, #tpu.memory_space<vmem>>, vector<16xi32>,
    %add3A_213 = arith.addi %get3A_212, %mul3A_23 : vector<16xi32>
    tpu.vector_store_idx %arg5[%add3A_213], %broadcast_in_dim3A_3 {add = true} : memref<128xf32, #tpu.memory_space<vmem>>[vector<16xi32>], vector<16xf32>,
    %get3A_214 = arith.constant 1024 : index
    %get3A_215 = tpu.vector_load %arg4[%get3A_214] {strides = array<i32>} : memref<2048xi32, #tpu.memory_space<vmem>>, vector<16xi32>,
    %add3A_216 = arith.addi %get3A_215, %mul3A_23 : vector<16xi32>
    tpu.vector_store_idx %arg5[%add3A_216], %broadcast_in_dim3A_3 {add = true} : memref<128xf32, #tpu.memory_space<vmem>>[vector<16xi32>], vector<16xf32>,
    %get3A_217 = arith.constant 1040 : index
    %get3A_218 = tpu.vector_load %arg4[%get3A_217] {strides = array<i32>} : memref<2048xi32, #tpu.memory_space<vmem>>, vector<16xi32>,
    %add3A_219 = arith.addi %get3A_218, %mul3A_23 : vector<16xi32>
    tpu.vector_store_idx %arg5[%add3A_219], %broadcast_in_dim3A_3 {add = true} : memref<128xf32, #tpu.memory_space<vmem>>[vector<16xi32>], vector<16xf32>,
    %get3A_220 = arith.constant 1056 : index
    %get3A_221 = tpu.vector_load %arg4[%get3A_220] {strides = array<i32>} : memref<2048xi32, #tpu.memory_space<vmem>>, vector<16xi32>,
    %add3A_222 = arith.addi %get3A_221, %mul3A_23 : vector<16xi32>
    tpu.vector_store_idx %arg5[%add3A_222], %broadcast_in_dim3A_3 {add = true} : memref<128xf32, #tpu.memory_space<vmem>>[vector<16xi32>], vector<16xf32>,
    %get3A_223 = arith.constant 1072 : index
    %get3A_224 = tpu.vector_load %arg4[%get3A_223] {strides = array<i32>} : memref<2048xi32, #tpu.memory_space<vmem>>, vector<16xi32>,
    %add3A_225 = arith.addi %get3A_224, %mul3A_23 : vector<16xi32>
    tpu.vector_store_idx %arg5[%add3A_225], %broadcast_in_dim3A_3 {add = true} : memref<128xf32, #tpu.memory_space<vmem>>[vector<16xi32>], vector<16xf32>,
    %get3A_226 = arith.constant 1088 : index
    %get3A_227 = tpu.vector_load %arg4[%get3A_226] {strides = array<i32>} : memref<2048xi32, #tpu.memory_space<vmem>>, vector<16xi32>,
    %add3A_228 = arith.addi %get3A_227, %mul3A_23 : vector<16xi32>
    tpu.vector_store_idx %arg5[%add3A_228], %broadcast_in_dim3A_3 {add = true} : memref<128xf32, #tpu.memory_space<vmem>>[vector<16xi32>], vector<16xf32>,
    %get3A_229 = arith.constant 1104 : index
    %get3A_230 = tpu.vector_load %arg4[%get3A_229] {strides = array<i32>} : memref<2048xi32, #tpu.memory_space<vmem>>, vector<16xi32>,
    %add3A_231 = arith.addi %get3A_230, %mul3A_23 : vector<16xi32>
    tpu.vector_store_idx %arg5[%add3A_231], %broadcast_in_dim3A_3 {add = true} : memref<128xf32, #tpu.memory_space<vmem>>[vector<16xi32>], vector<16xf32>,
    %get3A_232 = arith.constant 1120 : index
    %get3A_233 = tpu.vector_load %arg4[%get3A_232] {strides = array<i32>} : memref<2048xi32, #tpu.memory_space<vmem>>, vector<16xi32>,
    %add3A_234 = arith.addi %get3A_233, %mul3A_23 : vector<16xi32>
    tpu.vector_store_idx %arg5[%add3A_234], %broadcast_in_dim3A_3 {add = true} : memref<128xf32, #tpu.memory_space<vmem>>[vector<16xi32>], vector<16xf32>,
    %get3A_235 = arith.constant 1136 : index
    %get3A_236 = tpu.vector_load %arg4[%get3A_235] {strides = array<i32>} : memref<2048xi32, #tpu.memory_space<vmem>>, vector<16xi32>,
    %add3A_237 = arith.addi %get3A_236, %mul3A_23 : vector<16xi32>
    tpu.vector_store_idx %arg5[%add3A_237], %broadcast_in_dim3A_3 {add = true} : memref<128xf32, #tpu.memory_space<vmem>>[vector<16xi32>], vector<16xf32>,
    %get3A_238 = arith.constant 1152 : index
    %get3A_239 = tpu.vector_load %arg4[%get3A_238] {strides = array<i32>} : memref<2048xi32, #tpu.memory_space<vmem>>, vector<16xi32>,
    %add3A_240 = arith.addi %get3A_239, %mul3A_23 : vector<16xi32>
    tpu.vector_store_idx %arg5[%add3A_240], %broadcast_in_dim3A_3 {add = true} : memref<128xf32, #tpu.memory_space<vmem>>[vector<16xi32>], vector<16xf32>,
    %get3A_241 = arith.constant 1168 : index
    %get3A_242 = tpu.vector_load %arg4[%get3A_241] {strides = array<i32>} : memref<2048xi32, #tpu.memory_space<vmem>>, vector<16xi32>,
    %add3A_243 = arith.addi %get3A_242, %mul3A_23 : vector<16xi32>
    tpu.vector_store_idx %arg5[%add3A_243], %broadcast_in_dim3A_3 {add = true} : memref<128xf32, #tpu.memory_space<vmem>>[vector<16xi32>], vector<16xf32>,
    %get3A_244 = arith.constant 1184 : index
    %get3A_245 = tpu.vector_load %arg4[%get3A_244] {strides = array<i32>} : memref<2048xi32, #tpu.memory_space<vmem>>, vector<16xi32>,
    %add3A_246 = arith.addi %get3A_245, %mul3A_23 : vector<16xi32>
    tpu.vector_store_idx %arg5[%add3A_246], %broadcast_in_dim3A_3 {add = true} : memref<128xf32, #tpu.memory_space<vmem>>[vector<16xi32>], vector<16xf32>,
    %get3A_247 = arith.constant 1200 : index
    %get3A_248 = tpu.vector_load %arg4[%get3A_247] {strides = array<i32>} : memref<2048xi32, #tpu.memory_space<vmem>>, vector<16xi32>,
    %add3A_249 = arith.addi %get3A_248, %mul3A_23 : vector<16xi32>
    tpu.vector_store_idx %arg5[%add3A_249], %broadcast_in_dim3A_3 {add = true} : memref<128xf32, #tpu.memory_space<vmem>>[vector<16xi32>], vector<16xf32>,
    %get3A_250 = arith.constant 1216 : index
    %get3A_251 = tpu.vector_load %arg4[%get3A_250] {strides = array<i32>} : memref<2048xi32, #tpu.memory_space<vmem>>, vector<16xi32>,
    %add3A_252 = arith.addi %get3A_251, %mul3A_23 : vector<16xi32>
    tpu.vector_store_idx %arg5[%add3A_252], %broadcast_in_dim3A_3 {add = true} : memref<128xf32, #tpu.memory_space<vmem>>[vector<16xi32>], vector<16xf32>,
    %get3A_253 = arith.constant 1232 : index
    %get3A_254 = tpu.vector_load %arg4[%get3A_253] {strides = array<i32>} : memref<2048xi32, #tpu.memory_space<vmem>>, vector<16xi32>,
    %add3A_255 = arith.addi %get3A_254, %mul3A_23 : vector<16xi32>
    tpu.vector_store_idx %arg5[%add3A_255], %broadcast_in_dim3A_3 {add = true} : memref<128xf32, #tpu.memory_space<vmem>>[vector<16xi32>], vector<16xf32>,
    %get3A_256 = arith.constant 1248 : index
    %get3A_257 = tpu.vector_load %arg4[%get3A_256] {strides = array<i32>} : memref<2048xi32, #tpu.memory_space<vmem>>, vector<16xi32>,
    %add3A_258 = arith.addi %get3A_257, %mul3A_23 : vector<16xi32>
    tpu.vector_store_idx %arg5[%add3A_258], %broadcast_in_dim3A_3 {add = true} : memref<128xf32, #tpu.memory_space<vmem>>[vector<16xi32>], vector<16xf32>,
    %get3A_259 = arith.constant 1264 : index
    %get3A_260 = tpu.vector_load %arg4[%get3A_259] {strides = array<i32>} : memref<2048xi32, #tpu.memory_space<vmem>>, vector<16xi32>,
    %add3A_261 = arith.addi %get3A_260, %mul3A_23 : vector<16xi32>
    tpu.vector_store_idx %arg5[%add3A_261], %broadcast_in_dim3A_3 {add = true} : memref<128xf32, #tpu.memory_space<vmem>>[vector<16xi32>], vector<16xf32>,
    %get3A_262 = arith.constant 1280 : index
    %get3A_263 = tpu.vector_load %arg4[%get3A_262] {strides = array<i32>} : memref<2048xi32, #tpu.memory_space<vmem>>, vector<16xi32>,
    %add3A_264 = arith.addi %get3A_263, %mul3A_23 : vector<16xi32>
    tpu.vector_store_idx %arg5[%add3A_264], %broadcast_in_dim3A_3 {add = true} : memref<128xf32, #tpu.memory_space<vmem>>[vector<16xi32>], vector<16xf32>,
    %get3A_265 = arith.constant 1296 : index
    %get3A_266 = tpu.vector_load %arg4[%get3A_265] {strides = array<i32>} : memref<2048xi32, #tpu.memory_space<vmem>>, vector<16xi32>,
    %add3A_267 = arith.addi %get3A_266, %mul3A_23 : vector<16xi32>
    tpu.vector_store_idx %arg5[%add3A_267], %broadcast_in_dim3A_3 {add = true} : memref<128xf32, #tpu.memory_space<vmem>>[vector<16xi32>], vector<16xf32>,
    %get3A_268 = arith.constant 1312 : index
    %get3A_269 = tpu.vector_load %arg4[%get3A_268] {strides = array<i32>} : memref<2048xi32, #tpu.memory_space<vmem>>, vector<16xi32>,
    %add3A_270 = arith.addi %get3A_269, %mul3A_23 : vector<16xi32>
    tpu.vector_store_idx %arg5[%add3A_270], %broadcast_in_dim3A_3 {add = true} : memref<128xf32, #tpu.memory_space<vmem>>[vector<16xi32>], vector<16xf32>,
    %get3A_271 = arith.constant 1328 : index
    %get3A_272 = tpu.vector_load %arg4[%get3A_271] {strides = array<i32>} : memref<2048xi32, #tpu.memory_space<vmem>>, vector<16xi32>,
    %add3A_273 = arith.addi %get3A_272, %mul3A_23 : vector<16xi32>
    tpu.vector_store_idx %arg5[%add3A_273], %broadcast_in_dim3A_3 {add = true} : memref<128xf32, #tpu.memory_space<vmem>>[vector<16xi32>], vector<16xf32>,
    %get3A_274 = arith.constant 1344 : index
    %get3A_275 = tpu.vector_load %arg4[%get3A_274] {strides = array<i32>} : memref<2048xi32, #tpu.memory_space<vmem>>, vector<16xi32>,
    %add3A_276 = arith.addi %get3A_275, %mul3A_23 : vector<16xi32>
    tpu.vector_store_idx %arg5[%add3A_276], %broadcast_in_dim3A_3 {add = true} : memref<128xf32, #tpu.memory_space<vmem>>[vector<16xi32>], vector<16xf32>,
    %get3A_277 = arith.constant 1360 : index
    %get3A_278 = tpu.vector_load %arg4[%get3A_277] {strides = array<i32>} : memref<2048xi32, #tpu.memory_space<vmem>>, vector<16xi32>,
    %add3A_279 = arith.addi %get3A_278, %mul3A_23 : vector<16xi32>
    tpu.vector_store_idx %arg5[%add3A_279], %broadcast_in_dim3A_3 {add = true} : memref<128xf32, #tpu.memory_space<vmem>>[vector<16xi32>], vector<16xf32>,
    %get3A_280 = arith.constant 1376 : index
    %get3A_281 = tpu.vector_load %arg4[%get3A_280] {strides = array<i32>} : memref<2048xi32, #tpu.memory_space<vmem>>, vector<16xi32>,
    %add3A_282 = arith.addi %get3A_281, %mul3A_23 : vector<16xi32>
    tpu.vector_store_idx %arg5[%add3A_282], %broadcast_in_dim3A_3 {add = true} : memref<128xf32, #tpu.memory_space<vmem>>[vector<16xi32>], vector<16xf32>,
    %get3A_283 = arith.constant 1392 : index
    %get3A_284 = tpu.vector_load %arg4[%get3A_283] {strides = array<i32>} : memref<2048xi32, #tpu.memory_space<vmem>>, vector<16xi32>,
    %add3A_285 = arith.addi %get3A_284, %mul3A_23 : vector<16xi32>
    tpu.vector_store_idx %arg5[%add3A_285], %broadcast_in_dim3A_3 {add = true} : memref<128xf32, #tpu.memory_space<vmem>>[vector<16xi32>], vector<16xf32>,
    %get3A_286 = arith.constant 1408 : index
    %get3A_287 = tpu.vector_load %arg4[%get3A_286] {strides = array<i32>} : memref<2048xi32, #tpu.memory_space<vmem>>, vector<16xi32>,
    %add3A_288 = arith.addi %get3A_287, %mul3A_23 : vector<16xi32>
    tpu.vector_store_idx %arg5[%add3A_288], %broadcast_in_dim3A_3 {add = true} : memref<128xf32, #tpu.memory_space<vmem>>[vector<16xi32>], vector<16xf32>,
    %get3A_289 = arith.constant 1424 : index
    %get3A_290 = tpu.vector_load %arg4[%get3A_289] {strides = array<i32>} : memref<2048xi32, #tpu.memory_space<vmem>>, vector<16xi32>,
    %add3A_291 = arith.addi %get3A_290, %mul3A_23 : vector<16xi32>
    tpu.vector_store_idx %arg5[%add3A_291], %broadcast_in_dim3A_3 {add = true} : memref<128xf32, #tpu.memory_space<vmem>>[vector<16xi32>], vector<16xf32>,
    %get3A_292 = arith.constant 1440 : index
    %get3A_293 = tpu.vector_load %arg4[%get3A_292] {strides = array<i32>} : memref<2048xi32, #tpu.memory_space<vmem>>, vector<16xi32>,
    %add3A_294 = arith.addi %get3A_293, %mul3A_23 : vector<16xi32>
    tpu.vector_store_idx %arg5[%add3A_294], %broadcast_in_dim3A_3 {add = true} : memref<128xf32, #tpu.memory_space<vmem>>[vector<16xi32>], vector<16xf32>,
    %get3A_295 = arith.constant 1456 : index
    %get3A_296 = tpu.vector_load %arg4[%get3A_295] {strides = array<i32>} : memref<2048xi32, #tpu.memory_space<vmem>>, vector<16xi32>,
    %add3A_297 = arith.addi %get3A_296, %mul3A_23 : vector<16xi32>
    tpu.vector_store_idx %arg5[%add3A_297], %broadcast_in_dim3A_3 {add = true} : memref<128xf32, #tpu.memory_space<vmem>>[vector<16xi32>], vector<16xf32>,
    %get3A_298 = arith.constant 1472 : index
    %get3A_299 = tpu.vector_load %arg4[%get3A_298] {strides = array<i32>} : memref<2048xi32, #tpu.memory_space<vmem>>, vector<16xi32>,
    %add3A_300 = arith.addi %get3A_299, %mul3A_23 : vector<16xi32>
    tpu.vector_store_idx %arg5[%add3A_300], %broadcast_in_dim3A_3 {add = true} : memref<128xf32, #tpu.memory_space<vmem>>[vector<16xi32>], vector<16xf32>,
    %get3A_301 = arith.constant 1488 : index
    %get3A_302 = tpu.vector_load %arg4[%get3A_301] {strides = array<i32>} : memref<2048xi32, #tpu.memory_space<vmem>>, vector<16xi32>,
    %add3A_303 = arith.addi %get3A_302, %mul3A_23 : vector<16xi32>
    tpu.vector_store_idx %arg5[%add3A_303], %broadcast_in_dim3A_3 {add = true} : memref<128xf32, #tpu.memory_space<vmem>>[vector<16xi32>], vector<16xf32>,
    %get3A_304 = arith.constant 1504 : index
    %get3A_305 = tpu.vector_load %arg4[%get3A_304] {strides = array<i32>} : memref<2048xi32, #tpu.memory_space<vmem>>, vector<16xi32>,
    %add3A_306 = arith.addi %get3A_305, %mul3A_23 : vector<16xi32>
    tpu.vector_store_idx %arg5[%add3A_306], %broadcast_in_dim3A_3 {add = true} : memref<128xf32, #tpu.memory_space<vmem>>[vector<16xi32>], vector<16xf32>,
    %get3A_307 = arith.constant 1520 : index
    %get3A_308 = tpu.vector_load %arg4[%get3A_307] {strides = array<i32>} : memref<2048xi32, #tpu.memory_space<vmem>>, vector<16xi32>,
    %add3A_309 = arith.addi %get3A_308, %mul3A_23 : vector<16xi32>
    tpu.vector_store_idx %arg5[%add3A_309], %broadcast_in_dim3A_3 {add = true} : memref<128xf32, #tpu.memory_space<vmem>>[vector<16xi32>], vector<16xf32>,
    %get3A_310 = arith.constant 1536 : index
    %get3A_311 = tpu.vector_load %arg4[%get3A_310] {strides = array<i32>} : memref<2048xi32, #tpu.memory_space<vmem>>, vector<16xi32>,
    %add3A_312 = arith.addi %get3A_311, %mul3A_23 : vector<16xi32>
    tpu.vector_store_idx %arg5[%add3A_312], %broadcast_in_dim3A_3 {add = true} : memref<128xf32, #tpu.memory_space<vmem>>[vector<16xi32>], vector<16xf32>,
    %get3A_313 = arith.constant 1552 : index
    %get3A_314 = tpu.vector_load %arg4[%get3A_313] {strides = array<i32>} : memref<2048xi32, #tpu.memory_space<vmem>>, vector<16xi32>,
    %add3A_315 = arith.addi %get3A_314, %mul3A_23 : vector<16xi32>
    tpu.vector_store_idx %arg5[%add3A_315], %broadcast_in_dim3A_3 {add = true} : memref<128xf32, #tpu.memory_space<vmem>>[vector<16xi32>], vector<16xf32>,
    %get3A_316 = arith.constant 1568 : index
    %get3A_317 = tpu.vector_load %arg4[%get3A_316] {strides = array<i32>} : memref<2048xi32, #tpu.memory_space<vmem>>, vector<16xi32>,
    %add3A_318 = arith.addi %get3A_317, %mul3A_23 : vector<16xi32>
    tpu.vector_store_idx %arg5[%add3A_318], %broadcast_in_dim3A_3 {add = true} : memref<128xf32, #tpu.memory_space<vmem>>[vector<16xi32>], vector<16xf32>,
    %get3A_319 = arith.constant 1584 : index
    %get3A_320 = tpu.vector_load %arg4[%get3A_319] {strides = array<i32>} : memref<2048xi32, #tpu.memory_space<vmem>>, vector<16xi32>,
    %add3A_321 = arith.addi %get3A_320, %mul3A_23 : vector<16xi32>
    tpu.vector_store_idx %arg5[%add3A_321], %broadcast_in_dim3A_3 {add = true} : memref<128xf32, #tpu.memory_space<vmem>>[vector<16xi32>], vector<16xf32>,
    %get3A_322 = arith.constant 1600 : index
    %get3A_323 = tpu.vector_load %arg4[%get3A_322] {strides = array<i32>} : memref<2048xi32, #tpu.memory_space<vmem>>, vector<16xi32>,
    %add3A_324 = arith.addi %get3A_323, %mul3A_23 : vector<16xi32>
    tpu.vector_store_idx %arg5[%add3A_324], %broadcast_in_dim3A_3 {add = true} : memref<128xf32, #tpu.memory_space<vmem>>[vector<16xi32>], vector<16xf32>,
    %get3A_325 = arith.constant 1616 : index
    %get3A_326 = tpu.vector_load %arg4[%get3A_325] {strides = array<i32>} : memref<2048xi32, #tpu.memory_space<vmem>>, vector<16xi32>,
    %add3A_327 = arith.addi %get3A_326, %mul3A_23 : vector<16xi32>
    tpu.vector_store_idx %arg5[%add3A_327], %broadcast_in_dim3A_3 {add = true} : memref<128xf32, #tpu.memory_space<vmem>>[vector<16xi32>], vector<16xf32>,
    %get3A_328 = arith.constant 1632 : index
    %get3A_329 = tpu.vector_load %arg4[%get3A_328] {strides = array<i32>} : memref<2048xi32, #tpu.memory_space<vmem>>, vector<16xi32>,
    %add3A_330 = arith.addi %get3A_329, %mul3A_23 : vector<16xi32>
    tpu.vector_store_idx %arg5[%add3A_330], %broadcast_in_dim3A_3 {add = true} : memref<128xf32, #tpu.memory_space<vmem>>[vector<16xi32>], vector<16xf32>,
    %get3A_331 = arith.constant 1648 : index
    %get3A_332 = tpu.vector_load %arg4[%get3A_331] {strides = array<i32>} : memref<2048xi32, #tpu.memory_space<vmem>>, vector<16xi32>,
    %add3A_333 = arith.addi %get3A_332, %mul3A_23 : vector<16xi32>
    tpu.vector_store_idx %arg5[%add3A_333], %broadcast_in_dim3A_3 {add = true} : memref<128xf32, #tpu.memory_space<vmem>>[vector<16xi32>], vector<16xf32>,
    %get3A_334 = arith.constant 1664 : index
    %get3A_335 = tpu.vector_load %arg4[%get3A_334] {strides = array<i32>} : memref<2048xi32, #tpu.memory_space<vmem>>, vector<16xi32>,
    %add3A_336 = arith.addi %get3A_335, %mul3A_23 : vector<16xi32>
    tpu.vector_store_idx %arg5[%add3A_336], %broadcast_in_dim3A_3 {add = true} : memref<128xf32, #tpu.memory_space<vmem>>[vector<16xi32>], vector<16xf32>,
    %get3A_337 = arith.constant 1680 : index
    %get3A_338 = tpu.vector_load %arg4[%get3A_337] {strides = array<i32>} : memref<2048xi32, #tpu.memory_space<vmem>>, vector<16xi32>,
    %add3A_339 = arith.addi %get3A_338, %mul3A_23 : vector<16xi32>
    tpu.vector_store_idx %arg5[%add3A_339], %broadcast_in_dim3A_3 {add = true} : memref<128xf32, #tpu.memory_space<vmem>>[vector<16xi32>], vector<16xf32>,
    %get3A_340 = arith.constant 1696 : index
    %get3A_341 = tpu.vector_load %arg4[%get3A_340] {strides = array<i32>} : memref<2048xi32, #tpu.memory_space<vmem>>, vector<16xi32>,
    %add3A_342 = arith.addi %get3A_341, %mul3A_23 : vector<16xi32>
    tpu.vector_store_idx %arg5[%add3A_342], %broadcast_in_dim3A_3 {add = true} : memref<128xf32, #tpu.memory_space<vmem>>[vector<16xi32>], vector<16xf32>,
    %get3A_343 = arith.constant 1712 : index
    %get3A_344 = tpu.vector_load %arg4[%get3A_343] {strides = array<i32>} : memref<2048xi32, #tpu.memory_space<vmem>>, vector<16xi32>,
    %add3A_345 = arith.addi %get3A_344, %mul3A_23 : vector<16xi32>
    tpu.vector_store_idx %arg5[%add3A_345], %broadcast_in_dim3A_3 {add = true} : memref<128xf32, #tpu.memory_space<vmem>>[vector<16xi32>], vector<16xf32>,
    %get3A_346 = arith.constant 1728 : index
    %get3A_347 = tpu.vector_load %arg4[%get3A_346] {strides = array<i32>} : memref<2048xi32, #tpu.memory_space<vmem>>, vector<16xi32>,
    %add3A_348 = arith.addi %get3A_347, %mul3A_23 : vector<16xi32>
    tpu.vector_store_idx %arg5[%add3A_348], %broadcast_in_dim3A_3 {add = true} : memref<128xf32, #tpu.memory_space<vmem>>[vector<16xi32>], vector<16xf32>,
    %get3A_349 = arith.constant 1744 : index
    %get3A_350 = tpu.vector_load %arg4[%get3A_349] {strides = array<i32>} : memref<2048xi32, #tpu.memory_space<vmem>>, vector<16xi32>,
    %add3A_351 = arith.addi %get3A_350, %mul3A_23 : vector<16xi32>
    tpu.vector_store_idx %arg5[%add3A_351], %broadcast_in_dim3A_3 {add = true} : memref<128xf32, #tpu.memory_space<vmem>>[vector<16xi32>], vector<16xf32>,
    %get3A_352 = arith.constant 1760 : index
    %get3A_353 = tpu.vector_load %arg4[%get3A_352] {strides = array<i32>} : memref<2048xi32, #tpu.memory_space<vmem>>, vector<16xi32>,
    %add3A_354 = arith.addi %get3A_353, %mul3A_23 : vector<16xi32>
    tpu.vector_store_idx %arg5[%add3A_354], %broadcast_in_dim3A_3 {add = true} : memref<128xf32, #tpu.memory_space<vmem>>[vector<16xi32>], vector<16xf32>,
    %get3A_355 = arith.constant 1776 : index
    %get3A_356 = tpu.vector_load %arg4[%get3A_355] {strides = array<i32>} : memref<2048xi32, #tpu.memory_space<vmem>>, vector<16xi32>,
    %add3A_357 = arith.addi %get3A_356, %mul3A_23 : vector<16xi32>
    tpu.vector_store_idx %arg5[%add3A_357], %broadcast_in_dim3A_3 {add = true} : memref<128xf32, #tpu.memory_space<vmem>>[vector<16xi32>], vector<16xf32>,
    %get3A_358 = arith.constant 1792 : index
    %get3A_359 = tpu.vector_load %arg4[%get3A_358] {strides = array<i32>} : memref<2048xi32, #tpu.memory_space<vmem>>, vector<16xi32>,
    %add3A_360 = arith.addi %get3A_359, %mul3A_23 : vector<16xi32>
    tpu.vector_store_idx %arg5[%add3A_360], %broadcast_in_dim3A_3 {add = true} : memref<128xf32, #tpu.memory_space<vmem>>[vector<16xi32>], vector<16xf32>,
    %get3A_361 = arith.constant 1808 : index
    %get3A_362 = tpu.vector_load %arg4[%get3A_361] {strides = array<i32>} : memref<2048xi32, #tpu.memory_space<vmem>>, vector<16xi32>,
    %add3A_363 = arith.addi %get3A_362, %mul3A_23 : vector<16xi32>
    tpu.vector_store_idx %arg5[%add3A_363], %broadcast_in_dim3A_3 {add = true} : memref<128xf32, #tpu.memory_space<vmem>>[vector<16xi32>], vector<16xf32>,
    %get3A_364 = arith.constant 1824 : index
    %get3A_365 = tpu.vector_load %arg4[%get3A_364] {strides = array<i32>} : memref<2048xi32, #tpu.memory_space<vmem>>, vector<16xi32>,
    %add3A_366 = arith.addi %get3A_365, %mul3A_23 : vector<16xi32>
    tpu.vector_store_idx %arg5[%add3A_366], %broadcast_in_dim3A_3 {add = true} : memref<128xf32, #tpu.memory_space<vmem>>[vector<16xi32>], vector<16xf32>,
    %get3A_367 = arith.constant 1840 : index
    %get3A_368 = tpu.vector_load %arg4[%get3A_367] {strides = array<i32>} : memref<2048xi32, #tpu.memory_space<vmem>>, vector<16xi32>,
    %add3A_369 = arith.addi %get3A_368, %mul3A_23 : vector<16xi32>
    tpu.vector_store_idx %arg5[%add3A_369], %broadcast_in_dim3A_3 {add = true} : memref<128xf32, #tpu.memory_space<vmem>>[vector<16xi32>], vector<16xf32>,
    %get3A_370 = arith.constant 1856 : index
    %get3A_371 = tpu.vector_load %arg4[%get3A_370] {strides = array<i32>} : memref<2048xi32, #tpu.memory_space<vmem>>, vector<16xi32>,
    %add3A_372 = arith.addi %get3A_371, %mul3A_23 : vector<16xi32>
    tpu.vector_store_idx %arg5[%add3A_372], %broadcast_in_dim3A_3 {add = true} : memref<128xf32, #tpu.memory_space<vmem>>[vector<16xi32>], vector<16xf32>,
    %get3A_373 = arith.constant 1872 : index
    %get3A_374 = tpu.vector_load %arg4[%get3A_373] {strides = array<i32>} : memref<2048xi32, #tpu.memory_space<vmem>>, vector<16xi32>,
    %add3A_375 = arith.addi %get3A_374, %mul3A_23 : vector<16xi32>
    tpu.vector_store_idx %arg5[%add3A_375], %broadcast_in_dim3A_3 {add = true} : memref<128xf32, #tpu.memory_space<vmem>>[vector<16xi32>], vector<16xf32>,
    %get3A_376 = arith.constant 1888 : index
    %get3A_377 = tpu.vector_load %arg4[%get3A_376] {strides = array<i32>} : memref<2048xi32, #tpu.memory_space<vmem>>, vector<16xi32>,
    %add3A_378 = arith.addi %get3A_377, %mul3A_23 : vector<16xi32>
    tpu.vector_store_idx %arg5[%add3A_378], %broadcast_in_dim3A_3 {add = true} : memref<128xf32, #tpu.memory_space<vmem>>[vector<16xi32>], vector<16xf32>,
    %get3A_379 = arith.constant 1904 : index
    %get3A_380 = tpu.vector_load %arg4[%get3A_379] {strides = array<i32>} : memref<2048xi32, #tpu.memory_space<vmem>>, vector<16xi32>,
    %add3A_381 = arith.addi %get3A_380, %mul3A_23 : vector<16xi32>
    tpu.vector_store_idx %arg5[%add3A_381], %broadcast_in_dim3A_3 {add = true} : memref<128xf32, #tpu.memory_space<vmem>>[vector<16xi32>], vector<16xf32>,
    %get3A_382 = arith.constant 1920 : index
    %get3A_383 = tpu.vector_load %arg4[%get3A_382] {strides = array<i32>} : memref<2048xi32, #tpu.memory_space<vmem>>, vector<16xi32>,
    %add3A_384 = arith.addi %get3A_383, %mul3A_23 : vector<16xi32>
    tpu.vector_store_idx %arg5[%add3A_384], %broadcast_in_dim3A_3 {add = true} : memref<128xf32, #tpu.memory_space<vmem>>[vector<16xi32>], vector<16xf32>,
    %get3A_385 = arith.constant 1936 : index
    %get3A_386 = tpu.vector_load %arg4[%get3A_385] {strides = array<i32>} : memref<2048xi32, #tpu.memory_space<vmem>>, vector<16xi32>,
    %add3A_387 = arith.addi %get3A_386, %mul3A_23 : vector<16xi32>
    tpu.vector_store_idx %arg5[%add3A_387], %broadcast_in_dim3A_3 {add = true} : memref<128xf32, #tpu.memory_space<vmem>>[vector<16xi32>], vector<16xf32>,
    %get3A_388 = arith.constant 1952 : index
    %get3A_389 = tpu.vector_load %arg4[%get3A_388] {strides = array<i32>} : memref<2048xi32, #tpu.memory_space<vmem>>, vector<16xi32>,
    %add3A_390 = arith.addi %get3A_389, %mul3A_23 : vector<16xi32>
    tpu.vector_store_idx %arg5[%add3A_390], %broadcast_in_dim3A_3 {add = true} : memref<128xf32, #tpu.memory_space<vmem>>[vector<16xi32>], vector<16xf32>,
    %get3A_391 = arith.constant 1968 : index
    %get3A_392 = tpu.vector_load %arg4[%get3A_391] {strides = array<i32>} : memref<2048xi32, #tpu.memory_space<vmem>>, vector<16xi32>,
    %add3A_393 = arith.addi %get3A_392, %mul3A_23 : vector<16xi32>
    tpu.vector_store_idx %arg5[%add3A_393], %broadcast_in_dim3A_3 {add = true} : memref<128xf32, #tpu.memory_space<vmem>>[vector<16xi32>], vector<16xf32>,
    %get3A_394 = arith.constant 1984 : index
    %get3A_395 = tpu.vector_load %arg4[%get3A_394] {strides = array<i32>} : memref<2048xi32, #tpu.memory_space<vmem>>, vector<16xi32>,
    %add3A_396 = arith.addi %get3A_395, %mul3A_23 : vector<16xi32>
    tpu.vector_store_idx %arg5[%add3A_396], %broadcast_in_dim3A_3 {add = true} : memref<128xf32, #tpu.memory_space<vmem>>[vector<16xi32>], vector<16xf32>,
    %get3A_397 = arith.constant 2000 : index
    %get3A_398 = tpu.vector_load %arg4[%get3A_397] {strides = array<i32>} : memref<2048xi32, #tpu.memory_space<vmem>>, vector<16xi32>,
    %add3A_399 = arith.addi %get3A_398, %mul3A_23 : vector<16xi32>
    tpu.vector_store_idx %arg5[%add3A_399], %broadcast_in_dim3A_3 {add = true} : memref<128xf32, #tpu.memory_space<vmem>>[vector<16xi32>], vector<16xf32>,
    %get3A_400 = arith.constant 2016 : index
    %get3A_401 = tpu.vector_load %arg4[%get3A_400] {strides = array<i32>} : memref<2048xi32, #tpu.memory_space<vmem>>, vector<16xi32>,
    %add3A_402 = arith.addi %get3A_401, %mul3A_23 : vector<16xi32>
    tpu.vector_store_idx %arg5[%add3A_402], %broadcast_in_dim3A_3 {add = true} : memref<128xf32, #tpu.memory_space<vmem>>[vector<16xi32>], vector<16xf32>,
    %get3A_403 = arith.constant 2032 : index
    %get3A_404 = tpu.vector_load %arg4[%get3A_403] {strides = array<i32>} : memref<2048xi32, #tpu.memory_space<vmem>>, vector<16xi32>,
    %add3A_405 = arith.addi %get3A_404, %mul3A_23 : vector<16xi32>
    tpu.vector_store_idx %arg5[%add3A_405], %broadcast_in_dim3A_3 {add = true} : memref<128xf32, #tpu.memory_space<vmem>>[vector<16xi32>], vector<16xf32>,
    %get3A_406 = arith.constant 0 : index
    %get3A_407 = tpu.vector_load %arg5[%get3A_406] {strides = array<i32>} : memref<128xf32, #tpu.memory_space<vmem>>, vector<16xf32>,
    %get3A_408 = arith.constant 64 : index
    %get3A_409 = tpu.vector_load %arg5[%get3A_408] {strides = array<i32>} : memref<128xf32, #tpu.memory_space<vmem>>, vector<16xf32>,
    %add3A_410 = arith.addf %get3A_407, %get3A_409 : vector<16xf32>
    %swap3A_411 = arith.constant 0 : index
    %swap3A_412 = tpu.vector_load %arg6[%swap3A_411] {strides = array<i32>} : memref<64xf32, #tpu.memory_space<vmem>>, vector<16xf32>,
    tpu.vector_store %arg6[%swap3A_411], %add3A_410 {strides = array<i32>} : memref<64xf32, #tpu.memory_space<vmem>>, vector<16xf32>,
    %get3A_413 = arith.constant 16 : index
    %get3A_414 = tpu.vector_load %arg5[%get3A_413] {strides = array<i32>} : memref<128xf32, #tpu.memory_space<vmem>>, vector<16xf32>,
    %get3A_415 = arith.constant 80 : index
    %get3A_416 = tpu.vector_load %arg5[%get3A_415] {strides = array<i32>} : memref<128xf32, #tpu.memory_space<vmem>>, vector<16xf32>,
    %add3A_417 = arith.addf %get3A_414, %get3A_416 : vector<16xf32>
    %swap3A_418 = arith.constant 16 : index
    %swap3A_419 = tpu.vector_load %arg6[%swap3A_418] {strides = array<i32>} : memref<64xf32, #tpu.memory_space<vmem>>, vector<16xf32>,
    tpu.vector_store %arg6[%swap3A_418], %add3A_417 {strides = array<i32>} : memref<64xf32, #tpu.memory_space<vmem>>, vector<16xf32>,
    %get3A_420 = arith.constant 32 : index
    %get3A_421 = tpu.vector_load %arg5[%get3A_420] {strides = array<i32>} : memref<128xf32, #tpu.memory_space<vmem>>, vector<16xf32>,
    %get3A_422 = arith.constant 96 : index
    %get3A_423 = tpu.vector_load %arg5[%get3A_422] {strides = array<i32>} : memref<128xf32, #tpu.memory_space<vmem>>, vector<16xf32>,
    %add3A_424 = arith.addf %get3A_421, %get3A_423 : vector<16xf32>
    %swap3A_425 = arith.constant 32 : index
    %swap3A_426 = tpu.vector_load %arg6[%swap3A_425] {strides = array<i32>} : memref<64xf32, #tpu.memory_space<vmem>>, vector<16xf32>,
    tpu.vector_store %arg6[%swap3A_425], %add3A_424 {strides = array<i32>} : memref<64xf32, #tpu.memory_space<vmem>>, vector<16xf32>,
    %get3A_427 = arith.constant 48 : index
    %get3A_428 = tpu.vector_load %arg5[%get3A_427] {strides = array<i32>} : memref<128xf32, #tpu.memory_space<vmem>>, vector<16xf32>,
    %get3A_429 = arith.constant 112 : index
    %get3A_430 = tpu.vector_load %arg5[%get3A_429] {strides = array<i32>} : memref<128xf32, #tpu.memory_space<vmem>>, vector<16xf32>,
    %add3A_431 = arith.addf %get3A_428, %get3A_430 : vector<16xf32>
    %swap3A_432 = arith.constant 48 : index
    %swap3A_433 = tpu.vector_load %arg6[%swap3A_432] {strides = array<i32>} : memref<64xf32, #tpu.memory_space<vmem>>, vector<16xf32>,
    tpu.vector_store %arg6[%swap3A_432], %add3A_431 {strides = array<i32>} : memref<64xf32, #tpu.memory_space<vmem>>, vector<16xf32>,
    "tpu.region"() ({
      %run_scoped3A = tpu.sem_alloc : memref<!tpu.dma_semaphore, #tpu.memory_space<semaphore_mem>>
      %dma_start3A = arith.constant 0 : i32
      %dma_start3A_434 = tpu.memref_slice %arg3[%arg1, %dma_start3A] : memref<16x64xf32, #tpu.memory_space<hbm>> -> memref<1x64xf32, #tpu.memory_space<hbm>>
      %dma_start3A_435 = tpu.memref_squeeze %dma_start3A_434 : memref<1x64xf32, #tpu.memory_space<hbm>> -> memref<64xf32, #tpu.memory_space<hbm>>
      %dma_start3A_436 = arith.constant 0 : i32
      %dma_start3A_437 = tpu.memref_slice %arg3[%arg1, %dma_start3A_436] : memref<16x64xf32, #tpu.memory_space<hbm>> -> memref<1x64xf32, #tpu.memory_space<hbm>>
      %dma_start3A_438 = tpu.memref_squeeze %dma_start3A_437 : memref<1x64xf32, #tpu.memory_space<hbm>> -> memref<64xf32, #tpu.memory_space<hbm>>
      tpu.enqueue_dma source(%arg6 : memref<64xf32, #tpu.memory_space<vmem>>) target(%dma_start3A_438 : memref<64xf32, #tpu.memory_space<hbm>>) target_semaphore(%run_scoped3A : memref<!tpu.dma_semaphore, #tpu.memory_space<semaphore_mem>>)
      %dma_wait3A = arith.constant 0 : i32
      %dma_wait3A_439 = tpu.memref_slice %arg3[%arg1, %dma_wait3A] : memref<16x64xf32, #tpu.memory_space<hbm>> -> memref<1x64xf32, #tpu.memory_space<hbm>>
      %dma_wait3A_440 = tpu.memref_squeeze %dma_wait3A_439 : memref<1x64xf32, #tpu.memory_space<hbm>> -> memref<64xf32, #tpu.memory_space<hbm>>
      %dma_wait3A_441 = arith.constant 0 : i32
      %dma_wait3A_442 = tpu.memref_slice %arg3[%arg1, %dma_wait3A_441] : memref<16x64xf32, #tpu.memory_space<hbm>> -> memref<1x64xf32, #tpu.memory_space<hbm>>
      %dma_wait3A_443 = tpu.memref_squeeze %dma_wait3A_442 : memref<1x64xf32, #tpu.memory_space<hbm>> -> memref<64xf32, #tpu.memory_space<hbm>>
      tpu.wait_dma2 semaphore(%run_scoped3A : memref<!tpu.dma_semaphore, #tpu.memory_space<semaphore_mem>>) src(%arg6 : memref<64xf32, #tpu.memory_space<vmem>>) dst(%dma_wait3A_443 : memref<64xf32, #tpu.memory_space<hbm>>)
      tpu.yield
    }) : () -> ()
    return
  }
}

module attributes {stable_mosaic.version = 14 : i64} {
  func.func @body(%arg0: i32, %arg1: memref<16x64xf32, #tpu.memory_space<vmem>>, %arg2: memref<64x8192xf32, #tpu.memory_space<vmem>>, %arg3: memref<1xf32, #tpu.memory_space<smem>>, %arg4: memref<64x8192xf32, #tpu.memory_space<vmem>>) attributes {dimension_semantics = [#tpu.dimension_semantics<arbitrary>], iteration_bounds = array<i64: 2>, scalar_prefetch = 0 : i64, scratch_operands = 1 : i64, tpu.core_type = #tpu.core_type<tc>, window_params = [{pipeline_mode = #tpu.pipeline_mode<synchronous>, transform_indices = @transform_0, window_bounds = array<i64: 16, 64>}, {transform_indices = @transform_1, window_bounds = array<i64: 64, 8192>}, {transform_indices = @transform_2, window_bounds = array<i64: 1>}]} {
    %eq3A = arith.constant 0 : i32
    %eq3A_0 = arith.cmpi eq, %arg0, %eq3A : i32
    %convert_element_type3A = arith.extui %eq3A_0 : i1 to i32
    %cond3A = arith.constant 0 : i32
    %cond3A_1 = arith.cmpi ne, %convert_element_type3A, %cond3A : i32
    scf.if %cond3A_1 {
      %broadcast_in_dim3A = arith.constant 0.000000e+00 : f32
      %broadcast_in_dim3A_14 = vector.broadcast %broadcast_in_dim3A : f32 to vector<64x8192xf32>
      %swap3A_15 = arith.constant 0 : index
      %swap3A_16 = arith.constant 0 : index
      %swap3A_17 = vector.load %arg4[%swap3A_15, %swap3A_16] : memref<64x8192xf32, #tpu.memory_space<vmem>>, vector<64x8192xf32>
      tpu.vector_store %arg4[%swap3A_15, %swap3A_16], %broadcast_in_dim3A_14 {strides = array<i32>} : memref<64x8192xf32, #tpu.memory_space<vmem>>, vector<64x8192xf32>,
    } else {
    }
    %get3A = arith.constant 0 : index
    %get3A_2 = arith.constant 0 : index
    %get3A_3 = vector.load %arg4[%get3A, %get3A_2] : memref<64x8192xf32, #tpu.memory_space<vmem>>, vector<64x8192xf32>
    %get3A_4 = arith.constant 0 : index
    %get3A_5 = arith.constant 0 : index
    %get3A_6 = vector.load %arg2[%get3A_4, %get3A_5] : memref<64x8192xf32, #tpu.memory_space<vmem>>, vector<64x8192xf32>
    %add3A = arith.addf %get3A_3, %get3A_6 : vector<64x8192xf32>
    %swap3A = arith.constant 0 : index
    %swap3A_7 = arith.constant 0 : index
    %swap3A_8 = vector.load %arg4[%swap3A, %swap3A_7] : memref<64x8192xf32, #tpu.memory_space<vmem>>, vector<64x8192xf32>
    tpu.vector_store %arg4[%swap3A, %swap3A_7], %add3A {strides = array<i32>} : memref<64x8192xf32, #tpu.memory_space<vmem>>, vector<64x8192xf32>,
    %eq3A_9 = arith.constant 1 : i32
    %eq3A_10 = arith.cmpi eq, %arg0, %eq3A_9 : i32
    %convert_element_type3A_11 = arith.extui %eq3A_10 : i1 to i32
    %cond3A_12 = arith.constant 0 : i32
    %cond3A_13 = arith.cmpi ne, %convert_element_type3A_11, %cond3A_12 : i32
    scf.if %cond3A_13 {
      %get3A_14 = arith.constant 0 : index
      %get3A_15 = arith.constant 0 : index
      %get3A_16 = vector.load %arg1[%get3A_14, %get3A_15] : memref<16x64xf32, #tpu.memory_space<vmem>>, vector<16x64xf32>
      %reduce_sum3A = arith.constant dense<0.000000e+00> : vector<64xf32>
      %reduce_sum3A_17 = vector.multi_reduction <add>, %get3A_16, %reduce_sum3A [0] : vector<16x64xf32> to vector<64xf32>
      %broadcast_in_dim3A = vector.shape_cast %reduce_sum3A_17 : vector<64xf32> to vector<1x64xf32>
      %transpose3A = tpu.transpose %broadcast_in_dim3A, [1, 0] : vector<1x64xf32> -> vector<64x1xf32>
      %get3A_18 = arith.constant 0 : index
      %get3A_19 = arith.constant 0 : index
      %get3A_20 = vector.load %arg4[%get3A_18, %get3A_19] : memref<64x8192xf32, #tpu.memory_space<vmem>>, vector<64x8192xf32>
      %mul3A = vector.broadcast %transpose3A : vector<64x1xf32> to vector<64x8192xf32>
      %mul3A_21 = arith.mulf %get3A_20, %mul3A : vector<64x8192xf32>
      %reduce_sum3A_22 = vector.shape_cast %mul3A_21 : vector<64x8192xf32> to vector<1x64x8192xf32>
      %reduce_sum3A_23 = arith.constant dense<0.000000e+00> : vector<1xf32>
      %reduce_sum3A_24 = vector.multi_reduction <add>, %reduce_sum3A_22, %reduce_sum3A_23 [1, 2] : vector<1x64x8192xf32> to vector<1xf32>
      %reduce_sum3A_25 = vector.shape_cast %reduce_sum3A_24 : vector<1xf32> to vector<1x1x1xf32>
      %reduce_sum3A_26 = vector.extract %reduce_sum3A_25[0, 0, 0] : f32 from vector<1x1x1xf32>
      %mul3A_27 = arith.constant 1.1920929E-7 : f32
      %mul3A_28 = arith.mulf %reduce_sum3A_26, %mul3A_27 : f32
      %swap3A_29 = arith.constant 0 : index
      %swap3A_30 = memref.load %arg3[%swap3A_29] : memref<1xf32, #tpu.memory_space<smem>>
      memref.store %mul3A_28, %arg3[%swap3A_29] : memref<1xf32, #tpu.memory_space<smem>>
    } else {
    }
    return
  }
  func.func @transform_0(%arg0: i32) -> (i32, i32) {
    %c0_i32 = arith.constant 0 : i32
    %c0_i32_0 = arith.constant 0 : i32
    %c0_i32_1 = arith.constant 0 : i32
    return %c0_i32, %c0_i32_0 : i32, i32
  }
  func.func @transform_1(%arg0: i32) -> (i32, i32) {
    %c0_i32 = arith.constant 0 : i32
    %c0_i32_0 = arith.constant 0 : i32
    return %c0_i32, %arg0 : i32, i32
  }
  func.func @transform_2(%arg0: i32) -> i32 {
    %c0_i32 = arith.constant 0 : i32
    %c0_i32_0 = arith.constant 0 : i32
    return %c0_i32 : i32
  }
}

</mosaic_0001>

<sc_bundles>
// kernel: kernel.4.cloned.1.call-start
scs
__scs_entry_jumppad:
0x0: {  	(pc) =	sbr.rel $0x88, $3  }
0x1: {  	(tag) =	ssettag $0x0;
	lr =	simm.s32 $0x1  }
0x2: {  	[smem:$0x3F9F] =	sst lr;
	_ =	strace $0xD0000000  }
0x3: {  	_ = 	snop  }
0x4: {  	_ = 	snop  }
0x5: {  	_ = 	snop  }
0x6: {  	_ = 	snop  }
0x7: {  	_ = 	snop  }
__scs_overlays_trampoline_lowered:
0x8: {  	[smem:$0x3FAE] =	sst s0  }
0x9: {  	[smem:$0x3FAF] =	sst s1  }
0xa: {  	[smem:$0x3FB0] =	sst s2  }
0xb: {  	[smem:$0x3FB1] =	sst s3  }
0xc: {  	[smem:$0x3FB2] =	sst s4  }
0xd: {  	[smem:$0x3FB3] =	sst s5  }
0xe: {  	[smem:$0x3FB4] =	sst s6  }
0xf: {  	[smem:$0x3FB5] =	sst s7  }
0x10: {  	[smem:$0x3FB6] =	sst s8  }
0x11: {  	[smem:$0x3FB7] =	sst s9;
	s0 =	simm.s32 @!p0 $0x0  }
0x12: {  	s1 =	sld [smem:$0x3F9D];
	s0 =	simm.s32 @p0 $0x1  }
0x13: {  	[smem:$0x3FB8] =	sst s0;
	s0 =	simm.s32 @!p1 $0x0  }
0x14: {  	s2 =	sld [smem:$0x3F9C];
	s0 =	simm.s32 @p1 $0x1  }
0x15: {  	[smem:$0x3FB9] =	sst s0;
	s0 =	simm.s32 @!p2 $0x0  }
0x16: {  	s3 =	sld [smem:$0x3FDB];
	s0 =	simm.s32 @p2 $0x1  }
0x17: {  	s4 =	simm.s32 $0x1BF5;
	[smem:$0x3FBB] =	sst s0  }
0x18: {  	s0 =	sld [smem:$0x3F9E];
	_ =	swait.ge [sflag:s4], $0x0  }
0x19: {  	s7 =	sld [smem:$0x3F9F]  }
0x1a: {  	s8 =	sadd.s32 $0xFFFFE003, lr  }
0x1b: {  	s9 =	sadd.s32 $0xFFFFFEF7, lr;
	s5 =	simm.s32 $0xFFFFFFFF;
	p2 =	slt.u32 s8, $0xFFFFF086  }
0x1c: {  	p1 =	slt.u32 s9, $0xF7A;
	s5 =	simm.s32 @!p2 $0x0  }
0x1d: {  	s5 =	simm.s32 @p1 $0x1;
	p0 =	seq.s32 s7, s2  }
0x1e: {  	s7 =	smul.u32 @!p0 $0xF7A, s2;
	p2 =	seq.s32 @!p0 s5, $0x0  }
0x1f: {  	s9 =	smul.u32 $0xF7A, s1;
	s8 =	simm.s32 @!p0 $0x1BF5;
	p2 =	por !p2, p0  }
0x20: {  	[sflag:s8] =	ssyncset.s32 @!p0 $0xFFFFF086;
	s6 =	sadd.s32 @!p0 s3, s7;
	s7 =	simm.s32 @!p0 $0x108  }
0x21: {  	s3 =	sadd.s32 s3, s9;
	s6 =	sadd.s32 @!p0 $0x88, s6;
	s7 =	simm.s32 @p2 $0x1082  }
0x22: {  	[simem:s7], [sflag:s8] =	dma.local @!p0 [hbm:s6], $0xF7A  }
0x23: {  	s9 =	sor.u32 $0xD0000000, s2;
	s6 =	simm.s32 $0x108;
	_ =	swait.ge @!p0 [sflag:s8], $0x0  }
0x24: {  	s3 =	sadd.s32 $0x88, s3;
	s6 =	simm.s32 @!p1 $0x1082;
	[sflag:s4] =	ssyncset.s32 $0xFFFFF086  }
0x25: {  	[simem:s6], [sflag:s4] =	dma.local [hbm:s3], $0xF7A  }
0x26: {  	[smem:$0x3F9F] =	sst s1;
	(tag) =	ssettag s2;
	_ =	strace s9  }
0x27: {  	s1 =	sld [smem:$0x3FAF]  }
0x28: {  	s2 =	sld [smem:$0x3FB0]  }
0x29: {  	s4 =	sld [smem:$0x3FB2]  }
0x2a: {  	p0 =	seq.s32 s5, $0x0;
	s5 =	sld [smem:$0x3FB3]  }
0x2b: {  	s6 =	sld [smem:$0x3FB4]  }
0x2c: {  	s7 =	sld [smem:$0x3FB5]  }
0x2d: {  	s3 =	simm.s32 $0x108;
	s8 =	sld [smem:$0x3FB6]  }
0x2e: {  	s3 =	simm.s32 @!p0 $0x1082;
	s9 =	sld [smem:$0x3FB7]  }
0x2f: {  	lr =	sadd.s32 s0, s3;
	s0 =	sld [smem:$0x3FAE]  }
0x30: {  	s3 =	sld [smem:$0x3FB1]  }
0x31: {  	[smem:$0x3FBA] =	sst s10  }
0x32: {  	s10 =	sld [smem:$0x3FB8];
	_ =	sdelay $0x3  }
0x33: {  	p0 =	seq.s32 s10, $0x1;
	s10 =	sld [smem:$0x3FBA];
	_ =	sdelay $0x3  }
0x34: {  	[smem:$0x3FBA] =	sst s10  }
0x35: {  	s10 =	sld [smem:$0x3FB9];
	_ =	sdelay $0x3  }
0x36: {  	p1 =	seq.s32 s10, $0x1;
	s10 =	sld [smem:$0x3FBA];
	_ =	sdelay $0x3  }
0x37: {  	[smem:$0x3FBA] =	sst s10  }
0x38: {  	s10 =	sld [smem:$0x3FBB]  }
0x39: {  	_ = 	snop;
	(pc) =	sbr.ind lr, $3  }
0x3a: {  	_ = 	snop  }
0x3b: {  	_ = 	snop  }
0x3c: {  	p2 =	seq.s32 s10, $0x1;
	s10 =	sld [smem:$0x3FBA]  }
0x3d: {  	_ =	shalt  }
0x3e: {  	_ =	shalt  }
0x3f: {  	_ =	shalt  }
0x40: {  	_ =	shalt  }
0x41: {  	_ =	shalt  }
0x42: {  	_ =	shalt  }
0x43: {  	_ =	shalt  }
0x44: {  	_ =	shalt  }
0x45: {  	_ =	shalt  }
0x46: {  	_ =	shalt  }
0x47: {  	_ =	shalt  }
0x48: {  	_ =	shalt  }
0x49: {  	_ =	shalt  }
0x4a: {  	_ =	shalt  }
0x4b: {  	_ =	shalt  }
0x4c: {  	_ =	shalt  }
0x4d: {  	_ =	shalt  }
0x4e: {  	_ =	shalt  }
0x4f: {  	_ =	shalt  }
0x50: {  	_ =	shalt  }
0x51: {  	_ =	shalt  }
0x52: {  	_ =	shalt  }
0x53: {  	_ =	shalt  }
0x54: {  	_ =	shalt  }
0x55: {  	_ =	shalt  }
0x56: {  	_ =	shalt  }
0x57: {  	_ =	shalt  }
0x58: {  	_ =	shalt  }
0x59: {  	_ =	shalt  }
0x5a: {  	_ =	shalt  }
0x5b: {  	_ =	shalt  }
0x5c: {  	_ =	shalt  }
0x5d: {  	_ =	shalt  }
0x5e: {  	_ =	shalt  }
0x5f: {  	_ =	shalt  }
0x60: {  	_ =	shalt  }
0x61: {  	_ =	shalt  }
0x62: {  	_ =	shalt  }
0x63: {  	_ =	shalt  }
0x64: {  	_ =	shalt  }
0x65: {  	_ =	shalt  }
0x66: {  	_ =	shalt  }
0x67: {  	_ =	shalt  }
0x68: {  	_ =	shalt  }
0x69: {  	_ =	shalt  }
0x6a: {  	_ =	shalt  }
0x6b: {  	_ =	shalt  }
0x6c: {  	_ =	shalt  }
0x6d: {  	_ =	shalt  }
0x6e: {  	_ =	shalt  }
0x6f: {  	_ =	shalt  }
0x70: {  	_ =	shalt  }
0x71: {  	_ =	shalt  }
0x72: {  	_ =	shalt  }
0x73: {  	_ =	shalt  }
0x74: {  	_ =	shalt  }
0x75: {  	_ =	shalt  }
0x76: {  	_ =	shalt  }
0x77: {  	_ =	shalt  }
0x78: {  	_ =	shalt  }
0x79: {  	_ =	shalt  }
0x7a: {  	_ =	shalt  }
0x7b: {  	_ =	shalt  }
0x7c: {  	_ =	shalt  }
0x7d: {  	_ =	shalt  }
0x7e: {  	_ =	shalt  }
0x7f: {  	_ =	shalt  }
0x80: {  	_ =	shalt  }
0x81: {  	_ =	shalt  }
0x82: {  	_ =	shalt  }
0x83: {  	_ =	shalt  }
0x84: {  	_ =	shalt  }
0x85: {  	_ =	shalt  }
0x86: {  	_ =	shalt  }
0x87: {  	_ =	shalt  }
.Lfunc_end0:
.L_simem_size_0:
called_computation_lowered:
.L_overlay_start_0:
0x88: {  	s0 =	sld [smem:$0x3FD9]  }
0x89: {  	s1 =	sld [smem:$0x3FFE];
	_ =	sdelay $0x3  }
0x8a: {  	s0 =	sadd.s32 s1, s0  }
0x8b: {  	[smem:$0x3FC6] =	sst s0  }
0x8c: {  	_ = 	snop  }
0x8d: {  	(tm) =	ssettm $0x1  }
0x8e: {  	s15 =	sld [smem:$0x3FFB];
	_ =	sdelay $0x3  }
0x8f: {  	_ =	strace s15  }
0x90: {  	s0 =	sld [smem:$0x3FFC];
	_ =	sdelay $0x3  }
0x91: {  	_ =	strace s0  }
0x92: {  	s0 =	sld [smem:$0x3FFD];
	_ =	sdelay $0x3  }
0x93: {  	_ =	strace s0  }
0x94: {  	_ =	strace $0x8FFFFFFF  }
0x95: {  	s16 =	sld [smem:$0x3FDB];
	_ =	sdelay $0x1  }
0x96: {  	s17 =	simm.s32 $_scs_section_size  }
0x97: {  	s2 =	simm.s32 $_size__tile_overlayer_lowered;
	s3 =	simm.s32 $_tile_overlayer_lowered  }
0x98: {  	s20 =	simm.s32 $0x1BFF;
	s19 =	sshll.u32 s3, $0x1;
	s0 =	sadd.s32 s17, s16  }
0x99: {  	s4 =	simm.s32 $0x0;
	s18 =	sshll.u32 s2, $0x1;
	s2 =	sadd.s32 s19, s0  }
0x9a: {  	[timem:s4], [sflag:s20] =	dma.local [hbm:s2], s18  }
0x9b: {  	_ =	swait.ge [sflag:s20], s18  }
0x9c: {  	s1 =	ssub.s32 $0x0, s18;
	[sflag:s20] =	ssyncset.done $0x0  }
0x9d: {  	[sflag:s20] =	ssyncadd.s32 s1;
	_ =	sdelay $0x1  }
0x9e: {  	s21 =	simm.s32 $0x1B8B  }
0x9f: {  	_ =	swait.ge [sflag:s21], $0x1  }
0xa0: {  	[sflag:s21] =	ssyncset.done $0x0  }
0xa1: {  	s23 =	simm.s32 $0x1B8E;
	s22 =	sld [smem:$0x3FFE];
	[sflag:s21] =	ssyncadd.s32 $0xFFFFFFFF  }
0xa2: {  	s24 =	simm.s32 $execute0_lowered;
	[smem:$0x3FD2] =	sst s23  }
0xa3: {  	s2 =	sshll.u32 s24, $0x1;
	_ =	strace $0x80000046;
	[dreg:$0x1] =	wrdreg $0xFFFFFFFF  }
0xa4: {  	s25 =	simm.s32 $_size_execute0_lowered;
	s0 =	sadd.s32 s0, s2;
	[dreg:$0x0] =	wrdreg $0x0  }
0xa5: {  	s2 =	sshll.u32 s25, $0x1;
	[dreg:$0x2] =	wrdreg s0  }
0xa6: {  	[dreg:$0x3] =	wrdreg s2  }
0xa7: {  	[dreg:$0x4] =	wrdreg $0xC0  }
0xa8: {  	_ =	task [dreg:s4], $0x5FFFF  }
0xa9: {  	[dreg:$0x1] =	wrdreg $0xFFFFFFFF  }
0xaa: {  	[dreg:$0x0] =	wrdreg $0x60  }
0xab: {  	[dreg:$0x2] =	wrdreg s22  }
0xac: {  	[dreg:$0x3] =	wrdreg $0x9  }
0xad: {  	_ =	task.clear_ibuf [dreg:s4], $0x4FFFF;
	_ =	strace $0x90000046  }
0xae: {  	s26 =	simm.s32 $0x9;
	_ =	strace $0x80000048  }
0xaf: {  	_ =	swait.ge [sflag:s26], $0x1  }
0xb0: {  	[sflag:s26] =	ssyncadd.s32 $0xFFFFFFFF  }
0xb1: {  	_ =	strace $0x90000048  }
0xb2: {  	_ =	sfence  }
0xb3: {  	s28 =	sld [smem:$0x0];
	_ =	sdelay $0x1  }
0xb4: {  	s29 =	srdreg.scid  }
0xb5: {  	s30 =	sshll.u32 s29, $0xD;
	s31 =	sshrl.u32 s29, $0x2  }
0xb6: {  	s1 =	sand.u32 $0x1, s29;
	s2 =	sand.u32 $0x4000, s30;
	s0 =	sadd.s32 s31, s28  }
0xb7: {  	s1 =	sor.u32 s2, s1;
	s0 =	sshll.u32 s0, $0x11  }
0xb8: {  	s0 =	sor.u32 s0, s1  }
0xb9: {  	s0 =	sadd.s32 $0x8F2B, s0  }
0xba: {  	[sflag:s0] =	ssyncadd.remote.s32 $0x1  }
0xbb: {  	_ =	sfence.sel $0xFFFF  }
0xbc: {  	[dreg:$0x0] =	wrdreg $0xFFFFFFFF;
	(pc) =	sbr.abs _section_cstart, $3  }
0xbd: {  	[dreg:$0x1] =	wrdreg $0xFFFFFFFF  }
0xbe: {  	_ =	task.clear_ibuf [dreg:s4], $0x2FFFF;
	_ =	strace $0x9FFFFFFF  }
0xbf: {  	(tm) =	ssettm $0x7FFFFFFF  }
tec
execute0_lowered:
.L_overlay_start_1:
0x0: {  	(tag) =	ssettag $0x1  }
0x1: {  	s3 =	rddreg [dreg:$0x0];
	s1 =	stileid.u32  }
0x2: {  	s0 =	rddreg [dreg:$0x1];
	s2 =	simm.s32 $0x0;
	s4 =	sshll.u32 s1, $0x8  }
0x3: {  	[smem:$0x7FF] =	sst s2;
	s4 =	sadd.s32 s4, s3  }
0x4: {  	s29 =	simm.s32 $0x1;
	_ =	strace $0x80000047;
	s4 =	sadd.s32 $0x800, s4  }
0x5: {  	[tilespmem:s2], [sflag:$0x1] =	stream.linear.gather [hbm4b:s4+s2], $0x800, $0x38;
	[tilespmem:$0x900] =	vst v63  }
0x6: {  	_ =	swait.ge [sflag:s29], $0x800  }
0x7: {  	[sflag:s29] =	ssyncset.done $0x0  }
0x8: {  	[sflag:s29] =	ssyncadd.s32 $0xFFFFF800  }
0x9: {  	v1 =	vld [tilespmem:$0x0]  }
0xa: {  	v2 =	vimm.f32 $0.0e+00;
	v0 =	vlaneseq.u32  }
0xb: {  	v0 =	vand.u32 $0x1, v0;
	[tilespmem:$0x800] =	vst v2  }
0xc: {  	v0 =	vmul.u32 $0x40, v0;
	[tilespmem:$0x810] =	vst v2  }
0xd: {  	[tilespmem:$0x820] =	vst v2  }
0xe: {  	[tilespmem:$0x830] =	vst v2;
	v3 =	vadd.s32 v0, v1  }
0xf: {  	[tilespmem:$0x840] =	vst v2  }
0x10: {  	[tilespmem:$0x850] =	vst v2  }
0x11: {  	[tilespmem:$0x860] =	vst v2  }
0x12: {  	v58 =	vimm.f32 $1.000000000e+00;
	s5 =	simm.s32 $0x800;
	[tilespmem:$0x870] =	vst v2  }
0x13: {  	[tilespmem:v3+s5+$0x0] =	vst.idx.add.f32.msk $0xffff, v58  }
0x14: {  	v59 =	vld [tilespmem:$0x10];
	_ =	sdelay $0x4  }
0x15: {  	v2 =	vadd.s32 v0, v59;
	_ =	sdelay $0x4  }
0x16: {  	[tilespmem:v2+s5+$0x0] =	vst.idx.add.f32.msk $0xffff, v58  }
0x17: {  	v2 =	vld [tilespmem:$0x20];
	_ =	sdelay $0x4  }
0x18: {  	v2 =	vadd.s32 v0, v2;
	_ =	sdelay $0x4  }
0x19: {  	[tilespmem:v2+s5+$0x0] =	vst.idx.add.f32.msk $0xffff, v58  }
0x1a: {  	v2 =	vld [tilespmem:$0x30];
	_ =	sdelay $0x4  }
0x1b: {  	v2 =	vadd.s32 v0, v2;
	_ =	sdelay $0x4  }
0x1c: {  	[tilespmem:v2+s5+$0x0] =	vst.idx.add.f32.msk $0xffff, v58  }
0x1d: {  	v2 =	vld [tilespmem:$0x40];
	_ =	sdelay $0x4  }
0x1e: {  	v2 =	vadd.s32 v0, v2;
	_ =	sdelay $0x4  }
0x1f: {  	[tilespmem:v2+s5+$0x0] =	vst.idx.add.f32.msk $0xffff, v58  }
0x20: {  	v2 =	vld [tilespmem:$0x50];
	_ =	sdelay $0x4  }
0x21: {  	v2 =	vadd.s32 v0, v2;
	_ =	sdelay $0x4  }
0x22: {  	[tilespmem:v2+s5+$0x0] =	vst.idx.add.f32.msk $0xffff, v58  }
0x23: {  	v2 =	vld [tilespmem:$0x60];
	_ =	sdelay $0x4  }
0x24: {  	v2 =	vadd.s32 v0, v2;
	_ =	sdelay $0x4  }
0x25: {  	[tilespmem:v2+s5+$0x0] =	vst.idx.add.f32.msk $0xffff, v58  }
0x26: {  	v2 =	vld [tilespmem:$0x70];
	_ =	sdelay $0x4  }
0x27: {  	v2 =	vadd.s32 v0, v2;
	_ =	sdelay $0x4  }
0x28: {  	[tilespmem:v2+s5+$0x0] =	vst.idx.add.f32.msk $0xffff, v58  }
0x29: {  	v2 =	vld [tilespmem:$0x80];
	_ =	sdelay $0x4  }
0x2a: {  	v2 =	vadd.s32 v0, v2;
	_ =	sdelay $0x4  }
0x2b: {  	[tilespmem:v2+s5+$0x0] =	vst.idx.add.f32.msk $0xffff, v58  }
0x2c: {  	v2 =	vld [tilespmem:$0x90];
	_ =	sdelay $0x4  }
0x2d: {  	v2 =	vadd.s32 v0, v2;
	_ =	sdelay $0x4  }
0x2e: {  	[tilespmem:v2+s5+$0x0] =	vst.idx.add.f32.msk $0xffff, v58  }
0x2f: {  	v2 =	vld [tilespmem:$0xA0];
	_ =	sdelay $0x4  }
0x30: {  	v2 =	vadd.s32 v0, v2;
	_ =	sdelay $0x4  }
0x31: {  	[tilespmem:v2+s5+$0x0] =	vst.idx.add.f32.msk $0xffff, v58  }
0x32: {  	v2 =	vld [tilespmem:$0xB0];
	_ =	sdelay $0x4  }
0x33: {  	v2 =	vadd.s32 v0, v2;
	_ =	sdelay $0x4  }
0x34: {  	[tilespmem:v2+s5+$0x0] =	vst.idx.add.f32.msk $0xffff, v58  }
0x35: {  	v2 =	vld [tilespmem:$0xC0];
	_ =	sdelay $0x4  }
0x36: {  	v2 =	vadd.s32 v0, v2;
	_ =	sdelay $0x4  }
0x37: {  	[tilespmem:v2+s5+$0x0] =	vst.idx.add.f32.msk $0xffff, v58  }
0x38: {  	v2 =	vld [tilespmem:$0xD0];
	_ =	sdelay $0x4  }
0x39: {  	v2 =	vadd.s32 v0, v2;
	_ =	sdelay $0x4  }
0x3a: {  	[tilespmem:v2+s5+$0x0] =	vst.idx.add.f32.msk $0xffff, v58  }
0x3b: {  	v2 =	vld [tilespmem:$0xE0];
	_ =	sdelay $0x4  }
0x3c: {  	v2 =	vadd.s32 v0, v2;
	_ =	sdelay $0x4  }
0x3d: {  	[tilespmem:v2+s5+$0x0] =	vst.idx.add.f32.msk $0xffff, v58  }
0x3e: {  	v2 =	vld [tilespmem:$0xF0];
	_ =	sdelay $0x4  }
0x3f: {  	v2 =	vadd.s32 v0, v2;
	_ =	sdelay $0x4  }
0x40: {  	[tilespmem:v2+s5+$0x0] =	vst.idx.add.f32.msk $0xffff, v58  }
0x41: {  	v2 =	vld [tilespmem:$0x100];
	_ =	sdelay $0x4  }
0x42: {  	v2 =	vadd.s32 v0, v2;
	_ =	sdelay $0x4  }
0x43: {  	[tilespmem:v2+s5+$0x0] =	vst.idx.add.f32.msk $0xffff, v58  }
0x44: {  	v2 =	vld [tilespmem:$0x110];
	_ =	sdelay $0x4  }
0x45: {  	v2 =	vadd.s32 v0, v2;
	_ =	sdelay $0x4  }
0x46: {  	[tilespmem:v2+s5+$0x0] =	vst.idx.add.f32.msk $0xffff, v58  }
0x47: {  	v2 =	vld [tilespmem:$0x120];
	_ =	sdelay $0x4  }
0x48: {  	v2 =	vadd.s32 v0, v2;
	_ =	sdelay $0x4  }
0x49: {  	[tilespmem:v2+s5+$0x0] =	vst.idx.add.f32.msk $0xffff, v58  }
0x4a: {  	v2 =	vld [tilespmem:$0x130];
	_ =	sdelay $0x4  }
0x4b: {  	v2 =	vadd.s32 v0, v2;
	_ =	sdelay $0x4  }
0x4c: {  	[tilespmem:v2+s5+$0x0] =	vst.idx.add.f32.msk $0xffff, v58  }
0x4d: {  	v2 =	vld [tilespmem:$0x140];
	_ =	sdelay $0x4  }
0x4e: {  	v2 =	vadd.s32 v0, v2;
	_ =	sdelay $0x4  }
0x4f: {  	[tilespmem:v2+s5+$0x0] =	vst.idx.add.f32.msk $0xffff, v58  }
0x50: {  	v2 =	vld [tilespmem:$0x150];
	_ =	sdelay $0x4  }
0x51: {  	v2 =	vadd.s32 v0, v2;
	_ =	sdelay $0x4  }
0x52: {  	[tilespmem:v2+s5+$0x0] =	vst.idx.add.f32.msk $0xffff, v58  }
0x53: {  	v2 =	vld [tilespmem:$0x160];
	_ =	sdelay $0x4  }
0x54: {  	v2 =	vadd.s32 v0, v2;
	_ =	sdelay $0x4  }
0x55: {  	[tilespmem:v2+s5+$0x0] =	vst.idx.add.f32.msk $0xffff, v58  }
0x56: {  	v2 =	vld [tilespmem:$0x170];
	_ =	sdelay $0x4  }
0x57: {  	v2 =	vadd.s32 v0, v2;
	_ =	sdelay $0x4  }
0x58: {  	[tilespmem:v2+s5+$0x0] =	vst.idx.add.f32.msk $0xffff, v58  }
0x59: {  	v2 =	vld [tilespmem:$0x180];
	_ =	sdelay $0x4  }
0x5a: {  	v2 =	vadd.s32 v0, v2;
	_ =	sdelay $0x4  }
0x5b: {  	[tilespmem:v2+s5+$0x0] =	vst.idx.add.f32.msk $0xffff, v58  }
0x5c: {  	v2 =	vld [tilespmem:$0x190];
	_ =	sdelay $0x4  }
0x5d: {  	v2 =	vadd.s32 v0, v2;
	_ =	sdelay $0x4  }
0x5e: {  	[tilespmem:v2+s5+$0x0] =	vst.idx.add.f32.msk $0xffff, v58  }
0x5f: {  	v2 =	vld [tilespmem:$0x1A0];
	_ =	sdelay $0x4  }
0x60: {  	v2 =	vadd.s32 v0, v2;
	_ =	sdelay $0x4  }
0x61: {  	[tilespmem:v2+s5+$0x0] =	vst.idx.add.f32.msk $0xffff, v58  }
0x62: {  	v2 =	vld [tilespmem:$0x1B0];
	_ =	sdelay $0x4  }
0x63: {  	v2 =	vadd.s32 v0, v2;
	_ =	sdelay $0x4  }
0x64: {  	[tilespmem:v2+s5+$0x0] =	vst.idx.add.f32.msk $0xffff, v58  }
0x65: {  	v2 =	vld [tilespmem:$0x1C0];
	_ =	sdelay $0x4  }
0x66: {  	v2 =	vadd.s32 v0, v2;
	_ =	sdelay $0x4  }
0x67: {  	[tilespmem:v2+s5+$0x0] =	vst.idx.add.f32.msk $0xffff, v58  }
0x68: {  	v2 =	vld [tilespmem:$0x1D0];
	_ =	sdelay $0x4  }
0x69: {  	v2 =	vadd.s32 v0, v2;
	_ =	sdelay $0x4  }
0x6a: {  	[tilespmem:v2+s5+$0x0] =	vst.idx.add.f32.msk $0xffff, v58  }
0x6b: {  	v2 =	vld [tilespmem:$0x1E0];
	_ =	sdelay $0x4  }
0x6c: {  	v2 =	vadd.s32 v0, v2;
	_ =	sdelay $0x4  }
0x6d: {  	[tilespmem:v2+s5+$0x0] =	vst.idx.add.f32.msk $0xffff, v58  }
0x6e: {  	v2 =	vld [tilespmem:$0x1F0];
	_ =	sdelay $0x4  }
0x6f: {  	v2 =	vadd.s32 v0, v2;
	_ =	sdelay $0x4  }
0x70: {  	[tilespmem:v2+s5+$0x0] =	vst.idx.add.f32.msk $0xffff, v58  }
0x71: {  	v2 =	vld [tilespmem:$0x200];
	_ =	sdelay $0x4  }
0x72: {  	v2 =	vadd.s32 v0, v2;
	_ =	sdelay $0x4  }
0x73: {  	[tilespmem:v2+s5+$0x0] =	vst.idx.add.f32.msk $0xffff, v58  }
0x74: {  	v2 =	vld [tilespmem:$0x210];
	_ =	sdelay $0x4  }
0x75: {  	v2 =	vadd.s32 v0, v2;
	_ =	sdelay $0x4  }
0x76: {  	[tilespmem:v2+s5+$0x0] =	vst.idx.add.f32.msk $0xffff, v58  }
0x77: {  	v2 =	vld [tilespmem:$0x220];
	_ =	sdelay $0x4  }
0x78: {  	v2 =	vadd.s32 v0, v2;
	_ =	sdelay $0x4  }
0x79: {  	[tilespmem:v2+s5+$0x0] =	vst.idx.add.f32.msk $0xffff, v58  }
0x7a: {  	v2 =	vld [tilespmem:$0x230];
	_ =	sdelay $0x4  }
0x7b: {  	v2 =	vadd.s32 v0, v2;
	_ =	sdelay $0x4  }
0x7c: {  	[tilespmem:v2+s5+$0x0] =	vst.idx.add.f32.msk $0xffff, v58  }
0x7d: {  	v2 =	vld [tilespmem:$0x240];
	_ =	sdelay $0x4  }
0x7e: {  	v2 =	vadd.s32 v0, v2;
	_ =	sdelay $0x4  }
0x7f: {  	[tilespmem:v2+s5+$0x0] =	vst.idx.add.f32.msk $0xffff, v58  }
0x80: {  	v2 =	vld [tilespmem:$0x250];
	_ =	sdelay $0x4  }
0x81: {  	v2 =	vadd.s32 v0, v2;
	_ =	sdelay $0x4  }
0x82: {  	[tilespmem:v2+s5+$0x0] =	vst.idx.add.f32.msk $0xffff, v58  }
0x83: {  	v2 =	vld [tilespmem:$0x260];
	_ =	sdelay $0x4  }
0x84: {  	v2 =	vadd.s32 v0, v2;
	_ =	sdelay $0x4  }
0x85: {  	[tilespmem:v2+s5+$0x0] =	vst.idx.add.f32.msk $0xffff, v58  }
0x86: {  	v2 =	vld [tilespmem:$0x270];
	_ =	sdelay $0x4  }
0x87: {  	v2 =	vadd.s32 v0, v2;
	_ =	sdelay $0x4  }
0x88: {  	[tilespmem:v2+s5+$0x0] =	vst.idx.add.f32.msk $0xffff, v58  }
0x89: {  	v2 =	vld [tilespmem:$0x280];
	_ =	sdelay $0x4  }
0x8a: {  	v2 =	vadd.s32 v0, v2;
	_ =	sdelay $0x4  }
0x8b: {  	[tilespmem:v2+s5+$0x0] =	vst.idx.add.f32.msk $0xffff, v58  }
0x8c: {  	v2 =	vld [tilespmem:$0x290];
	_ =	sdelay $0x4  }
0x8d: {  	v2 =	vadd.s32 v0, v2;
	_ =	sdelay $0x4  }
0x8e: {  	[tilespmem:v2+s5+$0x0] =	vst.idx.add.f32.msk $0xffff, v58  }
0x8f: {  	v2 =	vld [tilespmem:$0x2A0];
	_ =	sdelay $0x4  }
0x90: {  	v2 =	vadd.s32 v0, v2;
	_ =	sdelay $0x4  }
0x91: {  	[tilespmem:v2+s5+$0x0] =	vst.idx.add.f32.msk $0xffff, v58  }
0x92: {  	v2 =	vld [tilespmem:$0x2B0];
	_ =	sdelay $0x4  }
0x93: {  	v2 =	vadd.s32 v0, v2;
	_ =	sdelay $0x4  }
0x94: {  	[tilespmem:v2+s5+$0x0] =	vst.idx.add.f32.msk $0xffff, v58  }
0x95: {  	v2 =	vld [tilespmem:$0x2C0];
	_ =	sdelay $0x4  }
0x96: {  	v2 =	vadd.s32 v0, v2;
	_ =	sdelay $0x4  }
0x97: {  	[tilespmem:v2+s5+$0x0] =	vst.idx.add.f32.msk $0xffff, v58  }
0x98: {  	v2 =	vld [tilespmem:$0x2D0];
	_ =	sdelay $0x4  }
0x99: {  	v2 =	vadd.s32 v0, v2;
	_ =	sdelay $0x4  }
0x9a: {  	[tilespmem:v2+s5+$0x0] =	vst.idx.add.f32.msk $0xffff, v58  }
0x9b: {  	v2 =	vld [tilespmem:$0x2E0];
	_ =	sdelay $0x4  }
0x9c: {  	v2 =	vadd.s32 v0, v2;
	_ =	sdelay $0x4  }
0x9d: {  	[tilespmem:v2+s5+$0x0] =	vst.idx.add.f32.msk $0xffff, v58  }
0x9e: {  	v2 =	vld [tilespmem:$0x2F0];
	_ =	sdelay $0x4  }
0x9f: {  	v2 =	vadd.s32 v0, v2;
	_ =	sdelay $0x4  }
0xa0: {  	[tilespmem:v2+s5+$0x0] =	vst.idx.add.f32.msk $0xffff, v58  }
0xa1: {  	v2 =	vld [tilespmem:$0x300];
	_ =	sdelay $0x4  }
0xa2: {  	v2 =	vadd.s32 v0, v2;
	_ =	sdelay $0x4  }
0xa3: {  	[tilespmem:v2+s5+$0x0] =	vst.idx.add.f32.msk $0xffff, v58  }
0xa4: {  	v2 =	vld [tilespmem:$0x310];
	_ =	sdelay $0x4  }
0xa5: {  	v2 =	vadd.s32 v0, v2;
	_ =	sdelay $0x4  }
0xa6: {  	[tilespmem:v2+s5+$0x0] =	vst.idx.add.f32.msk $0xffff, v58  }
0xa7: {  	v2 =	vld [tilespmem:$0x320];
	_ =	sdelay $0x4  }
0xa8: {  	v2 =	vadd.s32 v0, v2;
	_ =	sdelay $0x4  }
0xa9: {  	[tilespmem:v2+s5+$0x0] =	vst.idx.add.f32.msk $0xffff, v58  }
0xaa: {  	v2 =	vld [tilespmem:$0x330];
	_ =	sdelay $0x4  }
0xab: {  	v2 =	vadd.s32 v0, v2;
	_ =	sdelay $0x4  }
0xac: {  	[tilespmem:v2+s5+$0x0] =	vst.idx.add.f32.msk $0xffff, v58  }
0xad: {  	v2 =	vld [tilespmem:$0x340];
	_ =	sdelay $0x4  }
0xae: {  	v2 =	vadd.s32 v0, v2;
	_ =	sdelay $0x4  }
0xaf: {  	[tilespmem:v2+s5+$0x0] =	vst.idx.add.f32.msk $0xffff, v58  }
0xb0: {  	v2 =	vld [tilespmem:$0x350];
	_ =	sdelay $0x4  }
0xb1: {  	v2 =	vadd.s32 v0, v2;
	_ =	sdelay $0x4  }
0xb2: {  	[tilespmem:v2+s5+$0x0] =	vst.idx.add.f32.msk $0xffff, v58  }
0xb3: {  	v2 =	vld [tilespmem:$0x360];
	_ =	sdelay $0x4  }
0xb4: {  	v2 =	vadd.s32 v0, v2;
	_ =	sdelay $0x4  }
0xb5: {  	[tilespmem:v2+s5+$0x0] =	vst.idx.add.f32.msk $0xffff, v58  }
0xb6: {  	v2 =	vld [tilespmem:$0x370];
	_ =	sdelay $0x4  }
0xb7: {  	v2 =	vadd.s32 v0, v2;
	_ =	sdelay $0x4  }
0xb8: {  	[tilespmem:v2+s5+$0x0] =	vst.idx.add.f32.msk $0xffff, v58  }
0xb9: {  	v2 =	vld [tilespmem:$0x380];
	_ =	sdelay $0x4  }
0xba: {  	v2 =	vadd.s32 v0, v2;
	_ =	sdelay $0x4  }
0xbb: {  	[tilespmem:v2+s5+$0x0] =	vst.idx.add.f32.msk $0xffff, v58  }
0xbc: {  	v2 =	vld [tilespmem:$0x390];
	_ =	sdelay $0x4  }
0xbd: {  	v2 =	vadd.s32 v0, v2;
	_ =	sdelay $0x4  }
0xbe: {  	[tilespmem:v2+s5+$0x0] =	vst.idx.add.f32.msk $0xffff, v58  }
0xbf: {  	v2 =	vld [tilespmem:$0x3A0];
	_ =	sdelay $0x4  }
0xc0: {  	v2 =	vadd.s32 v0, v2;
	_ =	sdelay $0x4  }
0xc1: {  	[tilespmem:v2+s5+$0x0] =	vst.idx.add.f32.msk $0xffff, v58  }
0xc2: {  	v2 =	vld [tilespmem:$0x3B0];
	_ =	sdelay $0x4  }
0xc3: {  	v2 =	vadd.s32 v0, v2;
	_ =	sdelay $0x4  }
0xc4: {  	[tilespmem:v2+s5+$0x0] =	vst.idx.add.f32.msk $0xffff, v58  }
0xc5: {  	v2 =	vld [tilespmem:$0x3C0];
	_ =	sdelay $0x4  }
0xc6: {  	v2 =	vadd.s32 v0, v2;
	_ =	sdelay $0x4  }
0xc7: {  	[tilespmem:v2+s5+$0x0] =	vst.idx.add.f32.msk $0xffff, v58  }
0xc8: {  	v2 =	vld [tilespmem:$0x3D0];
	_ =	sdelay $0x4  }
0xc9: {  	v2 =	vadd.s32 v0, v2;
	_ =	sdelay $0x4  }
0xca: {  	[tilespmem:v2+s5+$0x0] =	vst.idx.add.f32.msk $0xffff, v58  }
0xcb: {  	v2 =	vld [tilespmem:$0x3E0];
	_ =	sdelay $0x4  }
0xcc: {  	v2 =	vadd.s32 v0, v2;
	_ =	sdelay $0x4  }
0xcd: {  	[tilespmem:v2+s5+$0x0] =	vst.idx.add.f32.msk $0xffff, v58  }
0xce: {  	v2 =	vld [tilespmem:$0x3F0];
	_ =	sdelay $0x4  }
0xcf: {  	v2 =	vadd.s32 v0, v2;
	_ =	sdelay $0x4  }
0xd0: {  	[tilespmem:v2+s5+$0x0] =	vst.idx.add.f32.msk $0xffff, v58  }
0xd1: {  	v2 =	vld [tilespmem:$0x400];
	_ =	sdelay $0x4  }
0xd2: {  	v2 =	vadd.s32 v0, v2;
	_ =	sdelay $0x4  }
0xd3: {  	[tilespmem:v2+s5+$0x0] =	vst.idx.add.f32.msk $0xffff, v58  }
0xd4: {  	v2 =	vld [tilespmem:$0x410];
	_ =	sdelay $0x4  }
0xd5: {  	v2 =	vadd.s32 v0, v2;
	_ =	sdelay $0x4  }
0xd6: {  	[tilespmem:v2+s5+$0x0] =	vst.idx.add.f32.msk $0xffff, v58  }
0xd7: {  	v2 =	vld [tilespmem:$0x420];
	_ =	sdelay $0x4  }
0xd8: {  	v2 =	vadd.s32 v0, v2;
	_ =	sdelay $0x4  }
0xd9: {  	[tilespmem:v2+s5+$0x0] =	vst.idx.add.f32.msk $0xffff, v58  }
0xda: {  	v2 =	vld [tilespmem:$0x430];
	_ =	sdelay $0x4  }
0xdb: {  	v2 =	vadd.s32 v0, v2;
	_ =	sdelay $0x4  }
0xdc: {  	[tilespmem:v2+s5+$0x0] =	vst.idx.add.f32.msk $0xffff, v58  }
0xdd: {  	v2 =	vld [tilespmem:$0x440];
	_ =	sdelay $0x4  }
0xde: {  	v2 =	vadd.s32 v0, v2;
	_ =	sdelay $0x4  }
0xdf: {  	[tilespmem:v2+s5+$0x0] =	vst.idx.add.f32.msk $0xffff, v58  }
0xe0: {  	v2 =	vld [tilespmem:$0x450];
	_ =	sdelay $0x4  }
0xe1: {  	v2 =	vadd.s32 v0, v2;
	_ =	sdelay $0x4  }
0xe2: {  	[tilespmem:v2+s5+$0x0] =	vst.idx.add.f32.msk $0xffff, v58  }
0xe3: {  	v2 =	vld [tilespmem:$0x460];
	_ =	sdelay $0x4  }
0xe4: {  	v2 =	vadd.s32 v0, v2;
	_ =	sdelay $0x4  }
0xe5: {  	[tilespmem:v2+s5+$0x0] =	vst.idx.add.f32.msk $0xffff, v58  }
0xe6: {  	v2 =	vld [tilespmem:$0x470];
	_ =	sdelay $0x4  }
0xe7: {  	v2 =	vadd.s32 v0, v2;
	_ =	sdelay $0x4  }
0xe8: {  	[tilespmem:v2+s5+$0x0] =	vst.idx.add.f32.msk $0xffff, v58  }
0xe9: {  	v2 =	vld [tilespmem:$0x480];
	_ =	sdelay $0x4  }
0xea: {  	v2 =	vadd.s32 v0, v2;
	_ =	sdelay $0x4  }
0xeb: {  	[tilespmem:v2+s5+$0x0] =	vst.idx.add.f32.msk $0xffff, v58  }
0xec: {  	v2 =	vld [tilespmem:$0x490];
	_ =	sdelay $0x4  }
0xed: {  	v2 =	vadd.s32 v0, v2;
	_ =	sdelay $0x4  }
0xee: {  	[tilespmem:v2+s5+$0x0] =	vst.idx.add.f32.msk $0xffff, v58  }
0xef: {  	v2 =	vld [tilespmem:$0x4A0];
	_ =	sdelay $0x4  }
0xf0: {  	v2 =	vadd.s32 v0, v2;
	_ =	sdelay $0x4  }
0xf1: {  	[tilespmem:v2+s5+$0x0] =	vst.idx.add.f32.msk $0xffff, v58  }
0xf2: {  	v2 =	vld [tilespmem:$0x4B0];
	_ =	sdelay $0x4  }
0xf3: {  	v2 =	vadd.s32 v0, v2;
	_ =	sdelay $0x4  }
0xf4: {  	[tilespmem:v2+s5+$0x0] =	vst.idx.add.f32.msk $0xffff, v58  }
0xf5: {  	v2 =	vld [tilespmem:$0x4C0];
	_ =	sdelay $0x4  }
0xf6: {  	v2 =	vadd.s32 v0, v2;
	_ =	sdelay $0x4  }
0xf7: {  	[tilespmem:v2+s5+$0x0] =	vst.idx.add.f32.msk $0xffff, v58  }
0xf8: {  	v2 =	vld [tilespmem:$0x4D0];
	_ =	sdelay $0x4  }
0xf9: {  	v2 =	vadd.s32 v0, v2;
	_ =	sdelay $0x4  }
0xfa: {  	[tilespmem:v2+s5+$0x0] =	vst.idx.add.f32.msk $0xffff, v58  }
0xfb: {  	v2 =	vld [tilespmem:$0x4E0];
	_ =	sdelay $0x4  }
0xfc: {  	v2 =	vadd.s32 v0, v2;
	_ =	sdelay $0x4  }
0xfd: {  	[tilespmem:v2+s5+$0x0] =	vst.idx.add.f32.msk $0xffff, v58  }
0xfe: {  	v2 =	vld [tilespmem:$0x4F0];
	_ =	sdelay $0x4  }
0xff: {  	v2 =	vadd.s32 v0, v2;
	_ =	sdelay $0x4  }
0x100: {  	[tilespmem:v2+s5+$0x0] =	vst.idx.add.f32.msk $0xffff, v58  }
0x101: {  	v2 =	vld [tilespmem:$0x500];
	_ =	sdelay $0x4  }
0x102: {  	v2 =	vadd.s32 v0, v2;
	_ =	sdelay $0x4  }
0x103: {  	[tilespmem:v2+s5+$0x0] =	vst.idx.add.f32.msk $0xffff, v58  }
0x104: {  	v2 =	vld [tilespmem:$0x510];
	_ =	sdelay $0x4  }
0x105: {  	v2 =	vadd.s32 v0, v2;
	_ =	sdelay $0x4  }
0x106: {  	[tilespmem:v2+s5+$0x0] =	vst.idx.add.f32.msk $0xffff, v58  }
0x107: {  	v2 =	vld [tilespmem:$0x520];
	_ =	sdelay $0x4  }
0x108: {  	v2 =	vadd.s32 v0, v2;
	_ =	sdelay $0x4  }
0x109: {  	[tilespmem:v2+s5+$0x0] =	vst.idx.add.f32.msk $0xffff, v58  }
0x10a: {  	v2 =	vld [tilespmem:$0x530];
	_ =	sdelay $0x4  }
0x10b: {  	v2 =	vadd.s32 v0, v2;
	_ =	sdelay $0x4  }
0x10c: {  	[tilespmem:v2+s5+$0x0] =	vst.idx.add.f32.msk $0xffff, v58  }
0x10d: {  	v2 =	vld [tilespmem:$0x540];
	_ =	sdelay $0x4  }
0x10e: {  	v2 =	vadd.s32 v0, v2;
	_ =	sdelay $0x4  }
0x10f: {  	[tilespmem:v2+s5+$0x0] =	vst.idx.add.f32.msk $0xffff, v58  }
0x110: {  	v2 =	vld [tilespmem:$0x550];
	_ =	sdelay $0x4  }
0x111: {  	v2 =	vadd.s32 v0, v2;
	_ =	sdelay $0x4  }
0x112: {  	[tilespmem:v2+s5+$0x0] =	vst.idx.add.f32.msk $0xffff, v58  }
0x113: {  	v2 =	vld [tilespmem:$0x560];
	_ =	sdelay $0x4  }
0x114: {  	v2 =	vadd.s32 v0, v2;
	_ =	sdelay $0x4  }
0x115: {  	[tilespmem:v2+s5+$0x0] =	vst.idx.add.f32.msk $0xffff, v58  }
0x116: {  	v2 =	vld [tilespmem:$0x570];
	_ =	sdelay $0x4  }
0x117: {  	v2 =	vadd.s32 v0, v2;
	_ =	sdelay $0x4  }
0x118: {  	[tilespmem:v2+s5+$0x0] =	vst.idx.add.f32.msk $0xffff, v58  }
0x119: {  	v2 =	vld [tilespmem:$0x580];
	_ =	sdelay $0x4  }
0x11a: {  	v2 =	vadd.s32 v0, v2;
	_ =	sdelay $0x4  }
0x11b: {  	[tilespmem:v2+s5+$0x0] =	vst.idx.add.f32.msk $0xffff, v58  }
0x11c: {  	v2 =	vld [tilespmem:$0x590];
	_ =	sdelay $0x4  }
0x11d: {  	v2 =	vadd.s32 v0, v2;
	_ =	sdelay $0x4  }
0x11e: {  	[tilespmem:v2+s5+$0x0] =	vst.idx.add.f32.msk $0xffff, v58  }
0x11f: {  	v2 =	vld [tilespmem:$0x5A0];
	_ =	sdelay $0x4  }
0x120: {  	v2 =	vadd.s32 v0, v2;
	_ =	sdelay $0x4  }
0x121: {  	[tilespmem:v2+s5+$0x0] =	vst.idx.add.f32.msk $0xffff, v58  }
0x122: {  	v2 =	vld [tilespmem:$0x5B0];
	_ =	sdelay $0x4  }
0x123: {  	v2 =	vadd.s32 v0, v2;
	_ =	sdelay $0x4  }
0x124: {  	[tilespmem:v2+s5+$0x0] =	vst.idx.add.f32.msk $0xffff, v58  }
0x125: {  	v2 =	vld [tilespmem:$0x5C0];
	_ =	sdelay $0x4  }
0x126: {  	v2 =	vadd.s32 v0, v2;
	_ =	sdelay $0x4  }
0x127: {  	[tilespmem:v2+s5+$0x0] =	vst.idx.add.f32.msk $0xffff, v58  }
0x128: {  	v2 =	vld [tilespmem:$0x5D0];
	_ =	sdelay $0x4  }
0x129: {  	v2 =	vadd.s32 v0, v2;
	_ =	sdelay $0x4  }
0x12a: {  	[tilespmem:v2+s5+$0x0] =	vst.idx.add.f32.msk $0xffff, v58  }
0x12b: {  	v2 =	vld [tilespmem:$0x5E0];
	_ =	sdelay $0x4  }
0x12c: {  	v2 =	vadd.s32 v0, v2;
	_ =	sdelay $0x4  }
0x12d: {  	[tilespmem:v2+s5+$0x0] =	vst.idx.add.f32.msk $0xffff, v58  }
0x12e: {  	v2 =	vld [tilespmem:$0x5F0];
	_ =	sdelay $0x4  }
0x12f: {  	v2 =	vadd.s32 v0, v2;
	_ =	sdelay $0x4  }
0x130: {  	[tilespmem:v2+s5+$0x0] =	vst.idx.add.f32.msk $0xffff, v58  }
0x131: {  	v2 =	vld [tilespmem:$0x600];
	_ =	sdelay $0x4  }
0x132: {  	v2 =	vadd.s32 v0, v2;
	_ =	sdelay $0x4  }
0x133: {  	[tilespmem:v2+s5+$0x0] =	vst.idx.add.f32.msk $0xffff, v58  }
0x134: {  	v2 =	vld [tilespmem:$0x610];
	_ =	sdelay $0x4  }
0x135: {  	v2 =	vadd.s32 v0, v2;
	_ =	sdelay $0x4  }
0x136: {  	[tilespmem:v2+s5+$0x0] =	vst.idx.add.f32.msk $0xffff, v58  }
0x137: {  	v2 =	vld [tilespmem:$0x620];
	_ =	sdelay $0x4  }
0x138: {  	v2 =	vadd.s32 v0, v2;
	_ =	sdelay $0x4  }
0x139: {  	[tilespmem:v2+s5+$0x0] =	vst.idx.add.f32.msk $0xffff, v58  }
0x13a: {  	v2 =	vld [tilespmem:$0x630];
	_ =	sdelay $0x4  }
0x13b: {  	v2 =	vadd.s32 v0, v2;
	_ =	sdelay $0x4  }
0x13c: {  	[tilespmem:v2+s5+$0x0] =	vst.idx.add.f32.msk $0xffff, v58  }
0x13d: {  	v2 =	vld [tilespmem:$0x640];
	_ =	sdelay $0x4  }
0x13e: {  	v2 =	vadd.s32 v0, v2;
	_ =	sdelay $0x4  }
0x13f: {  	[tilespmem:v2+s5+$0x0] =	vst.idx.add.f32.msk $0xffff, v58  }
0x140: {  	v2 =	vld [tilespmem:$0x650];
	_ =	sdelay $0x4  }
0x141: {  	v2 =	vadd.s32 v0, v2;
	_ =	sdelay $0x4  }
0x142: {  	[tilespmem:v2+s5+$0x0] =	vst.idx.add.f32.msk $0xffff, v58  }
0x143: {  	v2 =	vld [tilespmem:$0x660];
	_ =	sdelay $0x4  }
0x144: {  	v2 =	vadd.s32 v0, v2;
	_ =	sdelay $0x4  }
0x145: {  	[tilespmem:v2+s5+$0x0] =	vst.idx.add.f32.msk $0xffff, v58  }
0x146: {  	v2 =	vld [tilespmem:$0x670];
	_ =	sdelay $0x4  }
0x147: {  	v2 =	vadd.s32 v0, v2;
	_ =	sdelay $0x4  }
0x148: {  	[tilespmem:v2+s5+$0x0] =	vst.idx.add.f32.msk $0xffff, v58  }
0x149: {  	v2 =	vld [tilespmem:$0x680];
	_ =	sdelay $0x4  }
0x14a: {  	v2 =	vadd.s32 v0, v2;
	_ =	sdelay $0x4  }
0x14b: {  	[tilespmem:v2+s5+$0x0] =	vst.idx.add.f32.msk $0xffff, v58  }
0x14c: {  	v2 =	vld [tilespmem:$0x690];
	_ =	sdelay $0x4  }
0x14d: {  	v2 =	vadd.s32 v0, v2;
	_ =	sdelay $0x4  }
0x14e: {  	[tilespmem:v2+s5+$0x0] =	vst.idx.add.f32.msk $0xffff, v58  }
0x14f: {  	v2 =	vld [tilespmem:$0x6A0];
	_ =	sdelay $0x4  }
0x150: {  	v2 =	vadd.s32 v0, v2;
	_ =	sdelay $0x4  }
0x151: {  	[tilespmem:v2+s5+$0x0] =	vst.idx.add.f32.msk $0xffff, v58  }
0x152: {  	v2 =	vld [tilespmem:$0x6B0];
	_ =	sdelay $0x4  }
0x153: {  	v2 =	vadd.s32 v0, v2;
	_ =	sdelay $0x4  }
0x154: {  	[tilespmem:v2+s5+$0x0] =	vst.idx.add.f32.msk $0xffff, v58  }
0x155: {  	v2 =	vld [tilespmem:$0x6C0];
	_ =	sdelay $0x4  }
0x156: {  	v2 =	vadd.s32 v0, v2;
	_ =	sdelay $0x4  }
0x157: {  	[tilespmem:v2+s5+$0x0] =	vst.idx.add.f32.msk $0xffff, v58  }
0x158: {  	v2 =	vld [tilespmem:$0x6D0];
	_ =	sdelay $0x4  }
0x159: {  	v2 =	vadd.s32 v0, v2;
	_ =	sdelay $0x4  }
0x15a: {  	[tilespmem:v2+s5+$0x0] =	vst.idx.add.f32.msk $0xffff, v58  }
0x15b: {  	v2 =	vld [tilespmem:$0x6E0];
	_ =	sdelay $0x4  }
0x15c: {  	v2 =	vadd.s32 v0, v2;
	_ =	sdelay $0x4  }
0x15d: {  	[tilespmem:v2+s5+$0x0] =	vst.idx.add.f32.msk $0xffff, v58  }
0x15e: {  	v2 =	vld [tilespmem:$0x6F0];
	_ =	sdelay $0x4  }
0x15f: {  	v2 =	vadd.s32 v0, v2;
	_ =	sdelay $0x4  }
0x160: {  	[tilespmem:v2+s5+$0x0] =	vst.idx.add.f32.msk $0xffff, v58  }
0x161: {  	v2 =	vld [tilespmem:$0x700];
	_ =	sdelay $0x4  }
0x162: {  	v2 =	vadd.s32 v0, v2;
	_ =	sdelay $0x4  }
0x163: {  	[tilespmem:v2+s5+$0x0] =	vst.idx.add.f32.msk $0xffff, v58  }
0x164: {  	v2 =	vld [tilespmem:$0x710];
	_ =	sdelay $0x4  }
0x165: {  	v2 =	vadd.s32 v0, v2;
	_ =	sdelay $0x4  }
0x166: {  	[tilespmem:v2+s5+$0x0] =	vst.idx.add.f32.msk $0xffff, v58  }
0x167: {  	v2 =	vld [tilespmem:$0x720];
	_ =	sdelay $0x4  }
0x168: {  	v2 =	vadd.s32 v0, v2;
	_ =	sdelay $0x4  }
0x169: {  	[tilespmem:v2+s5+$0x0] =	vst.idx.add.f32.msk $0xffff, v58  }
0x16a: {  	v2 =	vld [tilespmem:$0x730];
	_ =	sdelay $0x4  }
0x16b: {  	v2 =	vadd.s32 v0, v2;
	_ =	sdelay $0x4  }
0x16c: {  	[tilespmem:v2+s5+$0x0] =	vst.idx.add.f32.msk $0xffff, v58  }
0x16d: {  	v2 =	vld [tilespmem:$0x740];
	_ =	sdelay $0x4  }
0x16e: {  	v2 =	vadd.s32 v0, v2;
	_ =	sdelay $0x4  }
0x16f: {  	[tilespmem:v2+s5+$0x0] =	vst.idx.add.f32.msk $0xffff, v58  }
0x170: {  	v2 =	vld [tilespmem:$0x750];
	_ =	sdelay $0x4  }
0x171: {  	v2 =	vadd.s32 v0, v2;
	_ =	sdelay $0x4  }
0x172: {  	[tilespmem:v2+s5+$0x0] =	vst.idx.add.f32.msk $0xffff, v58  }
0x173: {  	v2 =	vld [tilespmem:$0x760];
	_ =	sdelay $0x4  }
0x174: {  	v2 =	vadd.s32 v0, v2;
	_ =	sdelay $0x4  }
0x175: {  	[tilespmem:v2+s5+$0x0] =	vst.idx.add.f32.msk $0xffff, v58  }
0x176: {  	v2 =	vld [tilespmem:$0x770];
	_ =	sdelay $0x4  }
0x177: {  	v2 =	vadd.s32 v0, v2;
	_ =	sdelay $0x4  }
0x178: {  	[tilespmem:v2+s5+$0x0] =	vst.idx.add.f32.msk $0xffff, v58  }
0x179: {  	v2 =	vld [tilespmem:$0x780];
	_ =	sdelay $0x4  }
0x17a: {  	v2 =	vadd.s32 v0, v2;
	_ =	sdelay $0x4  }
0x17b: {  	[tilespmem:v2+s5+$0x0] =	vst.idx.add.f32.msk $0xffff, v58  }
0x17c: {  	v2 =	vld [tilespmem:$0x790];
	_ =	sdelay $0x4  }
0x17d: {  	v2 =	vadd.s32 v0, v2;
	_ =	sdelay $0x4  }
0x17e: {  	[tilespmem:v2+s5+$0x0] =	vst.idx.add.f32.msk $0xffff, v58  }
0x17f: {  	v2 =	vld [tilespmem:$0x7A0];
	_ =	sdelay $0x4  }
0x180: {  	v2 =	vadd.s32 v0, v2;
	_ =	sdelay $0x4  }
0x181: {  	[tilespmem:v2+s5+$0x0] =	vst.idx.add.f32.msk $0xffff, v58  }
0x182: {  	v2 =	vld [tilespmem:$0x7B0];
	_ =	sdelay $0x4  }
0x183: {  	v2 =	vadd.s32 v0, v2;
	_ =	sdelay $0x4  }
0x184: {  	[tilespmem:v2+s5+$0x0] =	vst.idx.add.f32.msk $0xffff, v58  }
0x185: {  	v2 =	vld [tilespmem:$0x7C0];
	_ =	sdelay $0x4  }
0x186: {  	v2 =	vadd.s32 v0, v2;
	_ =	sdelay $0x4  }
0x187: {  	[tilespmem:v2+s5+$0x0] =	vst.idx.add.f32.msk $0xffff, v58  }
0x188: {  	v2 =	vld [tilespmem:$0x7D0];
	_ =	sdelay $0x4  }
0x189: {  	v2 =	vadd.s32 v0, v2;
	_ =	sdelay $0x4  }
0x18a: {  	[tilespmem:v2+s5+$0x0] =	vst.idx.add.f32.msk $0xffff, v58  }
0x18b: {  	v2 =	vld [tilespmem:$0x7E0];
	_ =	sdelay $0x4  }
0x18c: {  	v2 =	vadd.s32 v0, v2;
	_ =	sdelay $0x4  }
0x18d: {  	[tilespmem:v2+s5+$0x0] =	vst.idx.add.f32.msk $0xffff, v58  }
0x18e: {  	v2 =	vld [tilespmem:$0x7F0];
	_ =	sdelay $0x4  }
0x18f: {  	v0 =	vadd.s32 v0, v2;
	_ =	sdelay $0x4  }
0x190: {  	[tilespmem:v0+s5+$0x0] =	vst.idx.add.f32.msk $0xffff, v58  }
0x191: {  	v0 =	vld [tilespmem:$0x800]  }
0x192: {  	v1 =	vld [tilespmem:$0x840]  }
0x193: {  	v60 =	vld [tilespmem:$0x810]  }
0x194: {  	v3 =	vld [tilespmem:$0x850]  }
0x195: {  	v4 =	vld [tilespmem:$0x820]  }
0x196: {  	v5 =	vld [tilespmem:$0x860]  }
0x197: {  	v6 =	vld [tilespmem:$0x830]  }
0x198: {  	v7 =	vld [tilespmem:$0x870];
	_ =	sdelay $0x1  }
0x199: {  	v0 =	vadd.f32 v1, v0  }
0x19a: {  	v61 =	vadd.f32 v3, v60  }
0x19b: {  	v62 =	vadd.f32 v5, v4;
	[tilespmem:$0x880] =	vst v0  }
0x19c: {  	s30 =	sshll.u32 s1, $0x4;
	v63 =	vadd.f32 v7, v6;
	[tilespmem:$0x890] =	vst v61  }
0x19d: {  	s3 =	sadd.s32 s30, s3;
	[tilespmem:$0x8A0] =	vst v62  }
0x19e: {  	s31 =	simm.s32 $0x880;
	s3 =	sadd.s32 $0x1800, s3;
	[tilespmem:$0x8B0] =	vst v63  }
0x19f: {  	[hbm4b:s3+s2] =	stream.linear.scatter [tilespmem:s31], [sflag:$0x1], $0x80, $0x38;
	[tilespmem:$0x900] =	vst v63  }
0x1a0: {  	_ =	swait.ge [sflag:s29], $0x80  }
0x1a1: {  	[sflag:s29] =	ssyncset.done $0x0  }
0x1a2: {  	[sflag:s29] =	ssyncadd.s32 $0xFFFFFF80  }
0x1a3: {  	_ =	sfence.sel $0x180000  }
0x1a4: {  	[bflag:$0x0] =	sbarrier.arrive $0xFFFF  }
0x1a5: {  	p0 =	sne.s32 s1, $0x0;
	_ =	strace $0x90000047  }
0x1a6: {  	s0 =	sadd.s32 @!p0 $0x100000, s0;
	[bflag:$0x2] =	sbarrier.arrive $0xFFFF  }
0x1a7: {  	[sflag:s0] =	ssyncadd.tile.s32 @!p0 $0x1;
	_ =	shalt  }
.Lfunc_end2:
_tile_overlayer_lowered:
.L_overlay_start_2:
0x1a8: {  	(tag) =	ssettag $0x2  }
0x1a9: {  	s0 =	rddreg [dreg:$0x0];
	s2 =	stileid.u32  }
0x1aa: {  	s1 =	rddreg [dreg:$0x1];
	p0 =	sne.s32 s2, $0x0  }
0x1ab: {  	s3 =	rddreg [dreg:$0x2];
	[bflag:$0x3] =	sbarrier.arrive $0xFFFF;
	s2 =	simm.s32 @!p0 $0x1C01  }
0x1ac: {  	[timem:s3], [sflag:s2] =	dma.local @!p0 [hbm:s0], s1  }
0x1ad: {  	s0 =	simm.s32 @!p0 $0x1  }
0x1ae: {  	_ =	swait.ge @!p0 [sflag:s0], s1  }
0x1af: {  	s1 =	ssub.s32 @!p0 $0x0, s1;
	[sflag:s0] =	ssyncset.done @!p0 $0x0  }
0x1b0: {  	[sflag:s0] =	ssyncadd.s32 @!p0 s1  }
0x1b1: {  	[bflag:$0x3] =	sbarrier.arrive $0xFFFF  }
0x1b2: {  	_ =	shalt  }

</sc_bundles>
